<compile_context>
chip_gen: v7x
topology: tpu7x:2x2x1
jax: 0.10.2.dev20260603
libtpu: 0.0.44.dev20260713+nightly
codegen_flags: <defaults>
</compile_context>

<pallas_src>
import functools

import jax
import jax.numpy as jnp
from jax import lax
from jax.experimental import pallas as pl
from jax.experimental.pallas import tpu as pltpu
from jax.experimental.pallas import tpu_sc as plsc

_NUM_CORES = 2
_NUM_SUBCORES = 16
_NUM_WORKERS = _NUM_CORES * _NUM_SUBCORES
_CHUNK = 128
_NBUF = 4
_LEAD = 3


def _lookup(idx3, remap, table_p):
    nw, per_w = idx3.shape
    rows_w, ck = per_w // _CHUNK, _CHUNK
    t, dp = table_p.shape
    d = dp // 2
    n = nw * per_w
    assert nw == _NUM_WORKERS
    main_lo, main_hi = _NBUF - _LEAD, rows_w - _LEAD
    main_hi -= (main_hi - main_lo) % _NBUF
    assert (main_hi - main_lo) % _NBUF == 0

    mesh = plsc.VectorSubcoreMesh(core_axis_name="c", subcore_axis_name="s")

    @functools.partial(
        pl.kernel,
        out_type=jax.ShapeDtypeStruct((n, dp), jnp.float32),
        mesh=mesh,
        scratch_types=[
            pltpu.VMEM((per_w,), jnp.int32),
            pltpu.VMEM((per_w,), jnp.int32),
            pltpu.VMEM((_NBUF, ck, dp), jnp.float32),
            pltpu.SemaphoreType.DMA,
            pltpu.SemaphoreType.DMA((_NBUF,)),
            pltpu.SemaphoreType.DMA((_NBUF,)),
        ],
    )
    def run(idx_hbm, remap_hbm, table_hbm, out_hbm, idx_v, emb_v, rows_v,
            sem_in, sem_g, sem_s):
        wid = lax.axis_index("s") * _NUM_CORES + lax.axis_index("c")
        base = wid * per_w

        pltpu.sync_copy(idx_hbm.at[wid], idx_v)
        pltpu.async_copy(remap_hbm.at[idx_v], emb_v, sem_in).wait()

        def gd(g, b):
            return pltpu.make_async_copy(
                table_hbm.at[emb_v.at[pl.ds(g * ck, ck)]], rows_v.at[b], sem_g.at[b])

        def sd(g, b):
            return pltpu.make_async_copy(
                rows_v.at[b],
                out_hbm.at[pl.ds(base + g * ck, ck)],
                sem_s.at[b])

        for g in range(_LEAD):
            gd(g, g % _NBUF).start()

        def visit(g, b, store_wait, restart):
            gd(g, b).wait()
            sd(g, b).start()
            if restart:
                bn = (g + _LEAD) % _NBUF
                if store_wait:
                    sd(g + _LEAD - _NBUF, bn).wait()
                gd(g + _LEAD, bn).start()
            elif store_wait:
                bn = (g + _LEAD) % _NBUF
                sd(g + _LEAD - _NBUF, bn).wait()

        for g in range(main_lo):
            visit(g, g % _NBUF, store_wait=False, restart=True)

        def body(i, carry):
            g0 = main_lo + i * _NBUF
            for j in range(_NBUF):
                visit(g0 + j, (main_lo + j) % _NBUF, store_wait=True,
                      restart=True)
            return carry

        lax.fori_loop(0, (main_hi - main_lo) // _NBUF, body, 0)

        for g in range(main_hi, rows_w):
            visit(g, g % _NBUF, store_wait=True, restart=False)

        for g in range(rows_w - (_NBUF - _LEAD), rows_w):
            sd(g, g % _NBUF).wait()

    return run(idx3, remap, table_p)


def kernel(raw_seqs, remap, table):
    b, s = raw_seqs.shape
    t, d = table.shape
    n = b * s
    idx3 = raw_seqs.reshape(_NUM_WORKERS, n // _NUM_WORKERS)
    table_p = jnp.pad(table, ((0, 0), (0, d)))
    out = _lookup(idx3, remap, table_p)
    return out[:, :d].reshape(b, s, d)

# --- scband reference (transcript-rebuilt; emitter-appended) ---
"""Pipeline reference for scband-nltoken-embedder-54425825575243 (READ-ONLY COPY).

The authoritative reference and input builder live on the scoring server;
editing this copy changes nothing except your own understanding.
"""

import jax, jax.numpy as jnp
import numpy as np

VOCAB_SIZE = 100000
EMBED_DIM = 64
TABLE_ROWS = VOCAB_SIZE + 3
BATCH = 4096
SEQ_LEN = 200


def setup_inputs(seed: int = 0) -> dict:
    key = jax.random.key(seed)
    k1, k2, k3 = jax.random.split(key, 3)
    # raw token ids as assigned by the Vocab object
    raw_seqs = jax.random.randint(k1, (BATCH, SEQ_LEN), 0, TABLE_ROWS, dtype=jnp.int32)
    # remap table encodes _tokid_to_embedded_idx: tok_id -> embedder index
    # (a per-token dict lookup in the original; materialized here as a gather table)
    remap = jax.random.randint(k2, (TABLE_ROWS,), 0, TABLE_ROWS, dtype=jnp.int32)
    # learned embedding table of shape [vocab_size + 3, embed_dim]
    table = jax.random.normal(k3, (TABLE_ROWS, EMBED_DIM), dtype=jnp.float32)
    return {"raw_seqs": raw_seqs, "remap": remap, "table": table}


def reference(raw_seqs, remap, table):
    # Step 1: map raw vocab token ids to embedder indices (the dict-comprehension
    # loop in the original forward, expressed as a vectorized gather)
    embed_idx = jnp.take(remap, raw_seqs, axis=0)
    # Step 2: embedding lookup: nn.Embedding(vocab_size + 3, embed_dim)
    out = jnp.take(table, embed_idx, axis=0)
    return out

if __name__ == "__main__":
    import jax
    _d = setup_inputs()
    print(jax.jit(kernel)(*tuple(_d.values())))

</pallas_src>

<mosaic_0001>
#map = affine_map<(d0, d1) -> (0, 0)>
#map1 = affine_map<(d0, d1) -> (0)>
module attributes {stable_mosaic.version = 14 : i64} {
  func.func @run(%arg0: i32, %arg1: i32, %arg2: memref<32x25600xi32, #tpu.memory_space<hbm>>, %arg3: memref<100003xi32, #tpu.memory_space<hbm>>, %arg4: memref<100003x128xf32, #tpu.memory_space<hbm>>, %arg5: memref<819200x128xf32, #tpu.memory_space<hbm>>, %arg6: memref<25600xi32, #tpu.memory_space<vmem>>, %arg7: memref<25600xi32, #tpu.memory_space<vmem>>, %arg8: memref<4x128x128xf32, #tpu.memory_space<vmem>>, %arg9: memref<!tpu.dma_semaphore, #tpu.memory_space<semaphore_mem>>, %arg10: memref<4x!tpu.dma_semaphore, #tpu.memory_space<semaphore_mem>>, %arg11: memref<4x!tpu.dma_semaphore, #tpu.memory_space<semaphore_mem>>) attributes {dimension_semantics = [#tpu.dimension_semantics<core_parallel>, #tpu.dimension_semantics<subcore_parallel>], iteration_bounds = array<i64: 2, 16>, scalar_prefetch = 0 : i64, scratch_operands = 6 : i64, tpu.core_type = #tpu.core_type<sc_vector_subcore>, window_params = [{transform_indices = #map}, {transform_indices = #map1}, {transform_indices = #map}, {transform_indices = #map}]} {
    %mul3A = arith.constant 2 : i32
    %mul3A_0 = arith.muli %arg1, %mul3A : i32
    %add3A = arith.addi %mul3A_0, %arg0 : i32
    %mul3A_1 = arith.constant 25600 : i32
    %mul3A_2 = arith.muli %add3A, %mul3A_1 : i32
    "tpu.region"() ({
      %run_scoped3A = tpu.sem_alloc : memref<!tpu.dma_semaphore, #tpu.memory_space<semaphore_mem>>
      %dma_start3A_258 = arith.constant 0 : i32
      %dma_start3A_259 = tpu.memref_slice %arg2[%add3A, %dma_start3A_258] : memref<32x25600xi32, #tpu.memory_space<hbm>> -> memref<1x25600xi32, #tpu.memory_space<hbm>>
      %dma_start3A_260 = tpu.memref_squeeze %dma_start3A_259 : memref<1x25600xi32, #tpu.memory_space<hbm>> -> memref<25600xi32, #tpu.memory_space<hbm>>
      %dma_start3A_261 = arith.constant 0 : i32
      %dma_start3A_262 = tpu.memref_slice %arg2[%add3A, %dma_start3A_261] : memref<32x25600xi32, #tpu.memory_space<hbm>> -> memref<1x25600xi32, #tpu.memory_space<hbm>>
      %dma_start3A_263 = tpu.memref_squeeze %dma_start3A_262 : memref<1x25600xi32, #tpu.memory_space<hbm>> -> memref<25600xi32, #tpu.memory_space<hbm>>
      tpu.enqueue_dma source(%dma_start3A_263 : memref<25600xi32, #tpu.memory_space<hbm>>) target(%arg6 : memref<25600xi32, #tpu.memory_space<vmem>>) target_semaphore(%run_scoped3A : memref<!tpu.dma_semaphore, #tpu.memory_space<semaphore_mem>>)
      %dma_wait3A_264 = arith.constant 0 : i32
      %dma_wait3A_265 = tpu.memref_slice %arg2[%add3A, %dma_wait3A_264] : memref<32x25600xi32, #tpu.memory_space<hbm>> -> memref<1x25600xi32, #tpu.memory_space<hbm>>
      %dma_wait3A_266 = tpu.memref_squeeze %dma_wait3A_265 : memref<1x25600xi32, #tpu.memory_space<hbm>> -> memref<25600xi32, #tpu.memory_space<hbm>>
      %dma_wait3A_267 = arith.constant 0 : i32
      %dma_wait3A_268 = tpu.memref_slice %arg2[%add3A, %dma_wait3A_267] : memref<32x25600xi32, #tpu.memory_space<hbm>> -> memref<1x25600xi32, #tpu.memory_space<hbm>>
      %dma_wait3A_269 = tpu.memref_squeeze %dma_wait3A_268 : memref<1x25600xi32, #tpu.memory_space<hbm>> -> memref<25600xi32, #tpu.memory_space<hbm>>
      tpu.wait_dma2 semaphore(%run_scoped3A : memref<!tpu.dma_semaphore, #tpu.memory_space<semaphore_mem>>) src(%dma_wait3A_269 : memref<25600xi32, #tpu.memory_space<hbm>>) dst(%arg6 : memref<25600xi32, #tpu.memory_space<vmem>>)
      tpu.yield
    }) : () -> ()
    %dma_start3A = arith.constant 0 : i32
    %dma_start3A_3 = tpu.memref_slice %arg3[%dma_start3A] : memref<100003xi32, #tpu.memory_space<hbm>> -> memref<100003xi32, #tpu.memory_space<hbm>>
    tpu.enqueue_indirect_dma source(%dma_start3A_3 : memref<100003xi32, #tpu.memory_space<hbm>>) target(%arg7 : memref<25600xi32, #tpu.memory_space<vmem>>) offsets(%arg6 : memref<25600xi32, #tpu.memory_space<vmem>>) semaphore(%arg9 : memref<!tpu.dma_semaphore, #tpu.memory_space<semaphore_mem>>)
    %dma_wait3A = arith.constant 0 : i32
    %dma_wait3A_4 = tpu.memref_slice %arg3[%dma_wait3A] : memref<100003xi32, #tpu.memory_space<hbm>> -> memref<100003xi32, #tpu.memory_space<hbm>>
    tpu.wait_indirect_dma semaphore(%arg9 : memref<!tpu.dma_semaphore, #tpu.memory_space<semaphore_mem>>) src(%dma_wait3A_4 : memref<100003xi32, #tpu.memory_space<hbm>>) dst(%arg7 : memref<25600xi32, #tpu.memory_space<vmem>>)
    %dma_start3A_5 = arith.constant 0 : i32
    %dma_start3A_6 = arith.constant 0 : i32
    %dma_start3A_7 = arith.constant 0 : i32
    %dma_start3A_8 = arith.constant 0 : i32
    %dma_start3A_9 = tpu.memref_slice %arg8[%dma_start3A_5, %dma_start3A_7, %dma_start3A_8] : memref<4x128x128xf32, #tpu.memory_space<vmem>> -> memref<1x128x128xf32, #tpu.memory_space<vmem>>
    %dma_start3A_10 = tpu.memref_squeeze %dma_start3A_9 : memref<1x128x128xf32, #tpu.memory_space<vmem>> -> memref<128x128xf32, #tpu.memory_space<vmem>>
    %dma_start3A_11 = arith.constant 0 : i32
    %dma_start3A_12 = tpu.memref_slice %arg7[%dma_start3A_11] : memref<25600xi32, #tpu.memory_space<vmem>> -> memref<128xi32, #tpu.memory_space<vmem>>
    %dma_start3A_13 = arith.constant 0 : i32
    %dma_start3A_14 = arith.constant 0 : i32
    %dma_start3A_15 = tpu.memref_slice %arg4[%dma_start3A_13, %dma_start3A_14] : memref<100003x128xf32, #tpu.memory_space<hbm>> -> memref<100003x128xf32, #tpu.memory_space<hbm>>
    %dma_start3A_16 = tpu.memref_slice %arg10[%dma_start3A_6] : memref<4x!tpu.dma_semaphore, #tpu.memory_space<semaphore_mem>> -> memref<1x!tpu.dma_semaphore, #tpu.memory_space<semaphore_mem>>
    %dma_start3A_17 = tpu.memref_squeeze %dma_start3A_16 : memref<1x!tpu.dma_semaphore, #tpu.memory_space<semaphore_mem>> -> memref<!tpu.dma_semaphore, #tpu.memory_space<semaphore_mem>>
    tpu.enqueue_indirect_dma source(%dma_start3A_15 : memref<100003x128xf32, #tpu.memory_space<hbm>>) target(%dma_start3A_10 : memref<128x128xf32, #tpu.memory_space<vmem>>) offsets(%dma_start3A_12 : memref<128xi32, #tpu.memory_space<vmem>>) semaphore(%dma_start3A_17 : memref<!tpu.dma_semaphore, #tpu.memory_space<semaphore_mem>>)
    %dma_start3A_18 = arith.constant 1 : i32
    %dma_start3A_19 = arith.constant 1 : i32
    %dma_start3A_20 = arith.constant 0 : i32
    %dma_start3A_21 = arith.constant 0 : i32
    %dma_start3A_22 = tpu.memref_slice %arg8[%dma_start3A_18, %dma_start3A_20, %dma_start3A_21] : memref<4x128x128xf32, #tpu.memory_space<vmem>> -> memref<1x128x128xf32, #tpu.memory_space<vmem>>
    %dma_start3A_23 = tpu.memref_squeeze %dma_start3A_22 : memref<1x128x128xf32, #tpu.memory_space<vmem>> -> memref<128x128xf32, #tpu.memory_space<vmem>>
    %dma_start3A_24 = arith.constant 128 : i32
    %dma_start3A_25 = tpu.memref_slice %arg7[%dma_start3A_24] : memref<25600xi32, #tpu.memory_space<vmem>> -> memref<128xi32, #tpu.memory_space<vmem>>
    %dma_start3A_26 = arith.constant 0 : i32
    %dma_start3A_27 = arith.constant 0 : i32
    %dma_start3A_28 = tpu.memref_slice %arg4[%dma_start3A_26, %dma_start3A_27] : memref<100003x128xf32, #tpu.memory_space<hbm>> -> memref<100003x128xf32, #tpu.memory_space<hbm>>
    %dma_start3A_29 = tpu.memref_slice %arg10[%dma_start3A_19] : memref<4x!tpu.dma_semaphore, #tpu.memory_space<semaphore_mem>> -> memref<1x!tpu.dma_semaphore, #tpu.memory_space<semaphore_mem>>
    %dma_start3A_30 = tpu.memref_squeeze %dma_start3A_29 : memref<1x!tpu.dma_semaphore, #tpu.memory_space<semaphore_mem>> -> memref<!tpu.dma_semaphore, #tpu.memory_space<semaphore_mem>>
    tpu.enqueue_indirect_dma source(%dma_start3A_28 : memref<100003x128xf32, #tpu.memory_space<hbm>>) target(%dma_start3A_23 : memref<128x128xf32, #tpu.memory_space<vmem>>) offsets(%dma_start3A_25 : memref<128xi32, #tpu.memory_space<vmem>>) semaphore(%dma_start3A_30 : memref<!tpu.dma_semaphore, #tpu.memory_space<semaphore_mem>>)
    %dma_start3A_31 = arith.constant 2 : i32
    %dma_start3A_32 = arith.constant 2 : i32
    %dma_start3A_33 = arith.constant 0 : i32
    %dma_start3A_34 = arith.constant 0 : i32
    %dma_start3A_35 = tpu.memref_slice %arg8[%dma_start3A_31, %dma_start3A_33, %dma_start3A_34] : memref<4x128x128xf32, #tpu.memory_space<vmem>> -> memref<1x128x128xf32, #tpu.memory_space<vmem>>
    %dma_start3A_36 = tpu.memref_squeeze %dma_start3A_35 : memref<1x128x128xf32, #tpu.memory_space<vmem>> -> memref<128x128xf32, #tpu.memory_space<vmem>>
    %dma_start3A_37 = arith.constant 256 : i32
    %dma_start3A_38 = tpu.memref_slice %arg7[%dma_start3A_37] : memref<25600xi32, #tpu.memory_space<vmem>> -> memref<128xi32, #tpu.memory_space<vmem>>
    %dma_start3A_39 = arith.constant 0 : i32
    %dma_start3A_40 = arith.constant 0 : i32
    %dma_start3A_41 = tpu.memref_slice %arg4[%dma_start3A_39, %dma_start3A_40] : memref<100003x128xf32, #tpu.memory_space<hbm>> -> memref<100003x128xf32, #tpu.memory_space<hbm>>
    %dma_start3A_42 = tpu.memref_slice %arg10[%dma_start3A_32] : memref<4x!tpu.dma_semaphore, #tpu.memory_space<semaphore_mem>> -> memref<1x!tpu.dma_semaphore, #tpu.memory_space<semaphore_mem>>
    %dma_start3A_43 = tpu.memref_squeeze %dma_start3A_42 : memref<1x!tpu.dma_semaphore, #tpu.memory_space<semaphore_mem>> -> memref<!tpu.dma_semaphore, #tpu.memory_space<semaphore_mem>>
    tpu.enqueue_indirect_dma source(%dma_start3A_41 : memref<100003x128xf32, #tpu.memory_space<hbm>>) target(%dma_start3A_36 : memref<128x128xf32, #tpu.memory_space<vmem>>) offsets(%dma_start3A_38 : memref<128xi32, #tpu.memory_space<vmem>>) semaphore(%dma_start3A_43 : memref<!tpu.dma_semaphore, #tpu.memory_space<semaphore_mem>>)
    %dma_wait3A_44 = arith.constant 0 : i32
    %dma_wait3A_45 = arith.constant 0 : i32
    %dma_wait3A_46 = arith.constant 0 : i32
    %dma_wait3A_47 = arith.constant 0 : i32
    %dma_wait3A_48 = tpu.memref_slice %arg8[%dma_wait3A_44, %dma_wait3A_46, %dma_wait3A_47] : memref<4x128x128xf32, #tpu.memory_space<vmem>> -> memref<1x128x128xf32, #tpu.memory_space<vmem>>
    %dma_wait3A_49 = tpu.memref_squeeze %dma_wait3A_48 : memref<1x128x128xf32, #tpu.memory_space<vmem>> -> memref<128x128xf32, #tpu.memory_space<vmem>>
    %dma_wait3A_50 = arith.constant 0 : i32
    %dma_wait3A_51 = tpu.memref_slice %arg7[%dma_wait3A_50] : memref<25600xi32, #tpu.memory_space<vmem>> -> memref<128xi32, #tpu.memory_space<vmem>>
    %dma_wait3A_52 = arith.constant 0 : i32
    %dma_wait3A_53 = arith.constant 0 : i32
    %dma_wait3A_54 = tpu.memref_slice %arg4[%dma_wait3A_52, %dma_wait3A_53] : memref<100003x128xf32, #tpu.memory_space<hbm>> -> memref<100003x128xf32, #tpu.memory_space<hbm>>
    %dma_wait3A_55 = tpu.memref_slice %arg10[%dma_wait3A_45] : memref<4x!tpu.dma_semaphore, #tpu.memory_space<semaphore_mem>> -> memref<1x!tpu.dma_semaphore, #tpu.memory_space<semaphore_mem>>
    %dma_wait3A_56 = tpu.memref_squeeze %dma_wait3A_55 : memref<1x!tpu.dma_semaphore, #tpu.memory_space<semaphore_mem>> -> memref<!tpu.dma_semaphore, #tpu.memory_space<semaphore_mem>>
    tpu.wait_indirect_dma semaphore(%dma_wait3A_56 : memref<!tpu.dma_semaphore, #tpu.memory_space<semaphore_mem>>) src(%dma_wait3A_54 : memref<100003x128xf32, #tpu.memory_space<hbm>>) dst(%dma_wait3A_49 : memref<128x128xf32, #tpu.memory_space<vmem>>)
    %add3A_57 = arith.constant 0 : i32
    %add3A_58 = arith.addi %mul3A_2, %add3A_57 : i32
    %dma_start3A_59 = arith.constant 0 : i32
    %dma_start3A_60 = arith.constant 0 : i32
    %dma_start3A_61 = arith.constant 0 : i32
    %dma_start3A_62 = arith.constant 0 : i32
    %dma_start3A_63 = tpu.memref_slice %arg8[%dma_start3A_59, %dma_start3A_61, %dma_start3A_62] : memref<4x128x128xf32, #tpu.memory_space<vmem>> -> memref<1x128x128xf32, #tpu.memory_space<vmem>>
    %dma_start3A_64 = tpu.memref_squeeze %dma_start3A_63 : memref<1x128x128xf32, #tpu.memory_space<vmem>> -> memref<128x128xf32, #tpu.memory_space<vmem>>
    %dma_start3A_65 = arith.constant 0 : i32
    %dma_start3A_66 = tpu.memref_slice %arg5[%add3A_58, %dma_start3A_65] : memref<819200x128xf32, #tpu.memory_space<hbm>> -> memref<128x128xf32, #tpu.memory_space<hbm>>
    %dma_start3A_67 = tpu.memref_slice %arg11[%dma_start3A_60] : memref<4x!tpu.dma_semaphore, #tpu.memory_space<semaphore_mem>> -> memref<1x!tpu.dma_semaphore, #tpu.memory_space<semaphore_mem>>
    %dma_start3A_68 = tpu.memref_squeeze %dma_start3A_67 : memref<1x!tpu.dma_semaphore, #tpu.memory_space<semaphore_mem>> -> memref<!tpu.dma_semaphore, #tpu.memory_space<semaphore_mem>>
    %dma_start3A_69 = arith.constant 0 : i32
    %dma_start3A_70 = tpu.memref_slice %arg5[%add3A_58, %dma_start3A_69] : memref<819200x128xf32, #tpu.memory_space<hbm>> -> memref<128x128xf32, #tpu.memory_space<hbm>>
    %dma_start3A_71 = arith.constant 0 : i32
    %dma_start3A_72 = arith.constant 0 : i32
    %dma_start3A_73 = tpu.memref_slice %arg8[%dma_start3A_59, %dma_start3A_71, %dma_start3A_72] : memref<4x128x128xf32, #tpu.memory_space<vmem>> -> memref<1x128x128xf32, #tpu.memory_space<vmem>>
    %dma_start3A_74 = tpu.memref_squeeze %dma_start3A_73 : memref<1x128x128xf32, #tpu.memory_space<vmem>> -> memref<128x128xf32, #tpu.memory_space<vmem>>
    tpu.enqueue_dma source(%dma_start3A_74 : memref<128x128xf32, #tpu.memory_space<vmem>>) target(%dma_start3A_70 : memref<128x128xf32, #tpu.memory_space<hbm>>) target_semaphore(%dma_start3A_68 : memref<!tpu.dma_semaphore, #tpu.memory_space<semaphore_mem>>)
    %dma_start3A_75 = arith.constant 3 : i32
    %dma_start3A_76 = arith.constant 3 : i32
    %dma_start3A_77 = arith.constant 0 : i32
    %dma_start3A_78 = arith.constant 0 : i32
    %dma_start3A_79 = tpu.memref_slice %arg8[%dma_start3A_75, %dma_start3A_77, %dma_start3A_78] : memref<4x128x128xf32, #tpu.memory_space<vmem>> -> memref<1x128x128xf32, #tpu.memory_space<vmem>>
    %dma_start3A_80 = tpu.memref_squeeze %dma_start3A_79 : memref<1x128x128xf32, #tpu.memory_space<vmem>> -> memref<128x128xf32, #tpu.memory_space<vmem>>
    %dma_start3A_81 = arith.constant 384 : i32
    %dma_start3A_82 = tpu.memref_slice %arg7[%dma_start3A_81] : memref<25600xi32, #tpu.memory_space<vmem>> -> memref<128xi32, #tpu.memory_space<vmem>>
    %dma_start3A_83 = arith.constant 0 : i32
    %dma_start3A_84 = arith.constant 0 : i32
    %dma_start3A_85 = tpu.memref_slice %arg4[%dma_start3A_83, %dma_start3A_84] : memref<100003x128xf32, #tpu.memory_space<hbm>> -> memref<100003x128xf32, #tpu.memory_space<hbm>>
    %dma_start3A_86 = tpu.memref_slice %arg10[%dma_start3A_76] : memref<4x!tpu.dma_semaphore, #tpu.memory_space<semaphore_mem>> -> memref<1x!tpu.dma_semaphore, #tpu.memory_space<semaphore_mem>>
    %dma_start3A_87 = tpu.memref_squeeze %dma_start3A_86 : memref<1x!tpu.dma_semaphore, #tpu.memory_space<semaphore_mem>> -> memref<!tpu.dma_semaphore, #tpu.memory_space<semaphore_mem>>
    tpu.enqueue_indirect_dma source(%dma_start3A_85 : memref<100003x128xf32, #tpu.memory_space<hbm>>) target(%dma_start3A_80 : memref<128x128xf32, #tpu.memory_space<vmem>>) offsets(%dma_start3A_82 : memref<128xi32, #tpu.memory_space<vmem>>) semaphore(%dma_start3A_87 : memref<!tpu.dma_semaphore, #tpu.memory_space<semaphore_mem>>)
    %scan3A = arith.constant 0 : i32
    %scan3A_88 = arith.constant 0 : i32
    %scan3A_89 = arith.constant 49 : i32
    %scan3A_90 = arith.addi %scan3A_88, %scan3A_89 : i32
    %scan3A_91 = arith.constant 1 : i32
    scf.for %scan3A_258 = %scan3A_88 to %scan3A_90 step %scan3A_91  : i32 {
      %mul3A_259 = arith.constant 4 : i32
      %mul3A_260 = arith.muli %scan3A_258, %mul3A_259 : i32
      %add3A_261 = arith.constant 1 : i32
      %add3A_262 = arith.addi %add3A_261, %mul3A_260 : i32
      %add3A_263 = arith.constant 0 : i32
      %add3A_264 = arith.addi %add3A_262, %add3A_263 : i32
      %mul3A_265 = arith.constant 128 : i32
      %mul3A_266 = arith.muli %add3A_264, %mul3A_265 : i32
      %dma_wait3A_267 = arith.constant 1 : i32
      %dma_wait3A_268 = arith.constant 1 : i32
      %dma_wait3A_269 = arith.constant 0 : i32
      %dma_wait3A_270 = arith.constant 0 : i32
      %dma_wait3A_271 = tpu.memref_slice %arg8[%dma_wait3A_267, %dma_wait3A_269, %dma_wait3A_270] : memref<4x128x128xf32, #tpu.memory_space<vmem>> -> memref<1x128x128xf32, #tpu.memory_space<vmem>>
      %dma_wait3A_272 = tpu.memref_squeeze %dma_wait3A_271 : memref<1x128x128xf32, #tpu.memory_space<vmem>> -> memref<128x128xf32, #tpu.memory_space<vmem>>
      %dma_wait3A_273 = tpu.memref_slice %arg7[%mul3A_266] : memref<25600xi32, #tpu.memory_space<vmem>> -> memref<128xi32, #tpu.memory_space<vmem>>
      %dma_wait3A_274 = arith.constant 0 : i32
      %dma_wait3A_275 = arith.constant 0 : i32
      %dma_wait3A_276 = tpu.memref_slice %arg4[%dma_wait3A_274, %dma_wait3A_275] : memref<100003x128xf32, #tpu.memory_space<hbm>> -> memref<100003x128xf32, #tpu.memory_space<hbm>>
      %dma_wait3A_277 = tpu.memref_slice %arg10[%dma_wait3A_268] : memref<4x!tpu.dma_semaphore, #tpu.memory_space<semaphore_mem>> -> memref<1x!tpu.dma_semaphore, #tpu.memory_space<semaphore_mem>>
      %dma_wait3A_278 = tpu.memref_squeeze %dma_wait3A_277 : memref<1x!tpu.dma_semaphore, #tpu.memory_space<semaphore_mem>> -> memref<!tpu.dma_semaphore, #tpu.memory_space<semaphore_mem>>
      tpu.wait_indirect_dma semaphore(%dma_wait3A_278 : memref<!tpu.dma_semaphore, #tpu.memory_space<semaphore_mem>>) src(%dma_wait3A_276 : memref<100003x128xf32, #tpu.memory_space<hbm>>) dst(%dma_wait3A_272 : memref<128x128xf32, #tpu.memory_space<vmem>>)
      %mul3A_279 = arith.constant 128 : i32
      %mul3A_280 = arith.muli %add3A_264, %mul3A_279 : i32
      %add3A_281 = arith.addi %mul3A_2, %mul3A_280 : i32
      %dma_start3A_282 = arith.constant 1 : i32
      %dma_start3A_283 = arith.constant 1 : i32
      %dma_start3A_284 = arith.constant 0 : i32
      %dma_start3A_285 = arith.constant 0 : i32
      %dma_start3A_286 = tpu.memref_slice %arg8[%dma_start3A_282, %dma_start3A_284, %dma_start3A_285] : memref<4x128x128xf32, #tpu.memory_space<vmem>> -> memref<1x128x128xf32, #tpu.memory_space<vmem>>
      %dma_start3A_287 = tpu.memref_squeeze %dma_start3A_286 : memref<1x128x128xf32, #tpu.memory_space<vmem>> -> memref<128x128xf32, #tpu.memory_space<vmem>>
      %dma_start3A_288 = arith.constant 0 : i32
      %dma_start3A_289 = tpu.memref_slice %arg5[%add3A_281, %dma_start3A_288] : memref<819200x128xf32, #tpu.memory_space<hbm>> -> memref<128x128xf32, #tpu.memory_space<hbm>>
      %dma_start3A_290 = tpu.memref_slice %arg11[%dma_start3A_283] : memref<4x!tpu.dma_semaphore, #tpu.memory_space<semaphore_mem>> -> memref<1x!tpu.dma_semaphore, #tpu.memory_space<semaphore_mem>>
      %dma_start3A_291 = tpu.memref_squeeze %dma_start3A_290 : memref<1x!tpu.dma_semaphore, #tpu.memory_space<semaphore_mem>> -> memref<!tpu.dma_semaphore, #tpu.memory_space<semaphore_mem>>
      %dma_start3A_292 = arith.constant 0 : i32
      %dma_start3A_293 = tpu.memref_slice %arg5[%add3A_281, %dma_start3A_292] : memref<819200x128xf32, #tpu.memory_space<hbm>> -> memref<128x128xf32, #tpu.memory_space<hbm>>
      %dma_start3A_294 = arith.constant 0 : i32
      %dma_start3A_295 = arith.constant 0 : i32
      %dma_start3A_296 = tpu.memref_slice %arg8[%dma_start3A_282, %dma_start3A_294, %dma_start3A_295] : memref<4x128x128xf32, #tpu.memory_space<vmem>> -> memref<1x128x128xf32, #tpu.memory_space<vmem>>
      %dma_start3A_297 = tpu.memref_squeeze %dma_start3A_296 : memref<1x128x128xf32, #tpu.memory_space<vmem>> -> memref<128x128xf32, #tpu.memory_space<vmem>>
      tpu.enqueue_dma source(%dma_start3A_297 : memref<128x128xf32, #tpu.memory_space<vmem>>) target(%dma_start3A_293 : memref<128x128xf32, #tpu.memory_space<hbm>>) target_semaphore(%dma_start3A_291 : memref<!tpu.dma_semaphore, #tpu.memory_space<semaphore_mem>>)
      %add3A_298 = arith.constant 3 : i32
      %add3A_299 = arith.addi %add3A_264, %add3A_298 : i32
      %jit3A = arith.constant 4 : i32
      %eq3A = arith.constant 0 : i32
      %eq3A_300 = arith.cmpi eq, %jit3A, %eq3A : i32
      %jit3A_301 = arith.constant 1 : i32
      %select_n3A = arith.select %eq3A_300, %jit3A_301, %jit3A : i32
      %rem3A = arith.remsi %add3A_299, %select_n3A : i32
      %ne3A = arith.constant 0 : i32
      %ne3A_302 = arith.cmpi ne, %rem3A, %ne3A : i32
      %lt3A = arith.constant 0 : i32
      %lt3A_303 = arith.cmpi slt, %rem3A, %lt3A : i32
      %lt3A_304 = arith.constant 0 : i32
      %lt3A_305 = arith.cmpi slt, %select_n3A, %lt3A_304 : i32
      %ne3A_306 = arith.xori %lt3A_303, %lt3A_305 : i1
      %and3A = arith.andi %ne3A_306, %ne3A_302 : i1
      %add3A_307 = arith.addi %rem3A, %select_n3A : i32
      %select_n3A_308 = arith.select %and3A, %add3A_307, %rem3A : i32
      %add3A_309 = arith.constant 3 : i32
      %add3A_310 = arith.addi %add3A_264, %add3A_309 : i32
      %sub3A = arith.constant 4 : i32
      %sub3A_311 = arith.subi %add3A_310, %sub3A : i32
      %mul3A_312 = arith.constant 128 : i32
      %mul3A_313 = arith.muli %sub3A_311, %mul3A_312 : i32
      %add3A_314 = arith.addi %mul3A_2, %mul3A_313 : i32
      %dma_wait3A_315 = arith.constant 0 : i32
      %dma_wait3A_316 = arith.constant 0 : i32
      %dma_wait3A_317 = tpu.memref_slice %arg8[%select_n3A_308, %dma_wait3A_315, %dma_wait3A_316] : memref<4x128x128xf32, #tpu.memory_space<vmem>> -> memref<1x128x128xf32, #tpu.memory_space<vmem>>
      %dma_wait3A_318 = tpu.memref_squeeze %dma_wait3A_317 : memref<1x128x128xf32, #tpu.memory_space<vmem>> -> memref<128x128xf32, #tpu.memory_space<vmem>>
      %dma_wait3A_319 = arith.constant 0 : i32
      %dma_wait3A_320 = tpu.memref_slice %arg5[%add3A_314, %dma_wait3A_319] : memref<819200x128xf32, #tpu.memory_space<hbm>> -> memref<128x128xf32, #tpu.memory_space<hbm>>
      %dma_wait3A_321 = tpu.memref_slice %arg11[%select_n3A_308] : memref<4x!tpu.dma_semaphore, #tpu.memory_space<semaphore_mem>> -> memref<1x!tpu.dma_semaphore, #tpu.memory_space<semaphore_mem>>
      %dma_wait3A_322 = tpu.memref_squeeze %dma_wait3A_321 : memref<1x!tpu.dma_semaphore, #tpu.memory_space<semaphore_mem>> -> memref<!tpu.dma_semaphore, #tpu.memory_space<semaphore_mem>>
      %dma_wait3A_323 = arith.constant 0 : i32
      %dma_wait3A_324 = tpu.memref_slice %arg5[%add3A_314, %dma_wait3A_323] : memref<819200x128xf32, #tpu.memory_space<hbm>> -> memref<128x128xf32, #tpu.memory_space<hbm>>
      %dma_wait3A_325 = arith.constant 0 : i32
      %dma_wait3A_326 = arith.constant 0 : i32
      %dma_wait3A_327 = tpu.memref_slice %arg8[%select_n3A_308, %dma_wait3A_325, %dma_wait3A_326] : memref<4x128x128xf32, #tpu.memory_space<vmem>> -> memref<1x128x128xf32, #tpu.memory_space<vmem>>
      %dma_wait3A_328 = tpu.memref_squeeze %dma_wait3A_327 : memref<1x128x128xf32, #tpu.memory_space<vmem>> -> memref<128x128xf32, #tpu.memory_space<vmem>>
      tpu.wait_dma2 semaphore(%dma_wait3A_322 : memref<!tpu.dma_semaphore, #tpu.memory_space<semaphore_mem>>) src(%dma_wait3A_328 : memref<128x128xf32, #tpu.memory_space<vmem>>) dst(%dma_wait3A_324 : memref<128x128xf32, #tpu.memory_space<hbm>>)
      %add3A_329 = arith.constant 3 : i32
      %add3A_330 = arith.addi %add3A_264, %add3A_329 : i32
      %mul3A_331 = arith.constant 128 : i32
      %mul3A_332 = arith.muli %add3A_330, %mul3A_331 : i32
      %dma_start3A_333 = arith.constant 0 : i32
      %dma_start3A_334 = arith.constant 0 : i32
      %dma_start3A_335 = tpu.memref_slice %arg8[%select_n3A_308, %dma_start3A_333, %dma_start3A_334] : memref<4x128x128xf32, #tpu.memory_space<vmem>> -> memref<1x128x128xf32, #tpu.memory_space<vmem>>
      %dma_start3A_336 = tpu.memref_squeeze %dma_start3A_335 : memref<1x128x128xf32, #tpu.memory_space<vmem>> -> memref<128x128xf32, #tpu.memory_space<vmem>>
      %dma_start3A_337 = tpu.memref_slice %arg7[%mul3A_332] : memref<25600xi32, #tpu.memory_space<vmem>> -> memref<128xi32, #tpu.memory_space<vmem>>
      %dma_start3A_338 = arith.constant 0 : i32
      %dma_start3A_339 = arith.constant 0 : i32
      %dma_start3A_340 = tpu.memref_slice %arg4[%dma_start3A_338, %dma_start3A_339] : memref<100003x128xf32, #tpu.memory_space<hbm>> -> memref<100003x128xf32, #tpu.memory_space<hbm>>
      %dma_start3A_341 = tpu.memref_slice %arg10[%select_n3A_308] : memref<4x!tpu.dma_semaphore, #tpu.memory_space<semaphore_mem>> -> memref<1x!tpu.dma_semaphore, #tpu.memory_space<semaphore_mem>>
      %dma_start3A_342 = tpu.memref_squeeze %dma_start3A_341 : memref<1x!tpu.dma_semaphore, #tpu.memory_space<semaphore_mem>> -> memref<!tpu.dma_semaphore, #tpu.memory_space<semaphore_mem>>
      tpu.enqueue_indirect_dma source(%dma_start3A_340 : memref<100003x128xf32, #tpu.memory_space<hbm>>) target(%dma_start3A_336 : memref<128x128xf32, #tpu.memory_space<vmem>>) offsets(%dma_start3A_337 : memref<128xi32, #tpu.memory_space<vmem>>) semaphore(%dma_start3A_342 : memref<!tpu.dma_semaphore, #tpu.memory_space<semaphore_mem>>)
      %add3A_343 = arith.constant 1 : i32
      %add3A_344 = arith.addi %add3A_262, %add3A_343 : i32
      %mul3A_345 = arith.constant 128 : i32
      %mul3A_346 = arith.muli %add3A_344, %mul3A_345 : i32
      %dma_wait3A_347 = arith.constant 2 : i32
      %dma_wait3A_348 = arith.constant 2 : i32
      %dma_wait3A_349 = arith.constant 0 : i32
      %dma_wait3A_350 = arith.constant 0 : i32
      %dma_wait3A_351 = tpu.memref_slice %arg8[%dma_wait3A_347, %dma_wait3A_349, %dma_wait3A_350] : memref<4x128x128xf32, #tpu.memory_space<vmem>> -> memref<1x128x128xf32, #tpu.memory_space<vmem>>
      %dma_wait3A_352 = tpu.memref_squeeze %dma_wait3A_351 : memref<1x128x128xf32, #tpu.memory_space<vmem>> -> memref<128x128xf32, #tpu.memory_space<vmem>>
      %dma_wait3A_353 = tpu.memref_slice %arg7[%mul3A_346] : memref<25600xi32, #tpu.memory_space<vmem>> -> memref<128xi32, #tpu.memory_space<vmem>>
      %dma_wait3A_354 = arith.constant 0 : i32
      %dma_wait3A_355 = arith.constant 0 : i32
      %dma_wait3A_356 = tpu.memref_slice %arg4[%dma_wait3A_354, %dma_wait3A_355] : memref<100003x128xf32, #tpu.memory_space<hbm>> -> memref<100003x128xf32, #tpu.memory_space<hbm>>
      %dma_wait3A_357 = tpu.memref_slice %arg10[%dma_wait3A_348] : memref<4x!tpu.dma_semaphore, #tpu.memory_space<semaphore_mem>> -> memref<1x!tpu.dma_semaphore, #tpu.memory_space<semaphore_mem>>
      %dma_wait3A_358 = tpu.memref_squeeze %dma_wait3A_357 : memref<1x!tpu.dma_semaphore, #tpu.memory_space<semaphore_mem>> -> memref<!tpu.dma_semaphore, #tpu.memory_space<semaphore_mem>>
      tpu.wait_indirect_dma semaphore(%dma_wait3A_358 : memref<!tpu.dma_semaphore, #tpu.memory_space<semaphore_mem>>) src(%dma_wait3A_356 : memref<100003x128xf32, #tpu.memory_space<hbm>>) dst(%dma_wait3A_352 : memref<128x128xf32, #tpu.memory_space<vmem>>)
      %mul3A_359 = arith.constant 128 : i32
      %mul3A_360 = arith.muli %add3A_344, %mul3A_359 : i32
      %add3A_361 = arith.addi %mul3A_2, %mul3A_360 : i32
      %dma_start3A_362 = arith.constant 2 : i32
      %dma_start3A_363 = arith.constant 2 : i32
      %dma_start3A_364 = arith.constant 0 : i32
      %dma_start3A_365 = arith.constant 0 : i32
      %dma_start3A_366 = tpu.memref_slice %arg8[%dma_start3A_362, %dma_start3A_364, %dma_start3A_365] : memref<4x128x128xf32, #tpu.memory_space<vmem>> -> memref<1x128x128xf32, #tpu.memory_space<vmem>>
      %dma_start3A_367 = tpu.memref_squeeze %dma_start3A_366 : memref<1x128x128xf32, #tpu.memory_space<vmem>> -> memref<128x128xf32, #tpu.memory_space<vmem>>
      %dma_start3A_368 = arith.constant 0 : i32
      %dma_start3A_369 = tpu.memref_slice %arg5[%add3A_361, %dma_start3A_368] : memref<819200x128xf32, #tpu.memory_space<hbm>> -> memref<128x128xf32, #tpu.memory_space<hbm>>
      %dma_start3A_370 = tpu.memref_slice %arg11[%dma_start3A_363] : memref<4x!tpu.dma_semaphore, #tpu.memory_space<semaphore_mem>> -> memref<1x!tpu.dma_semaphore, #tpu.memory_space<semaphore_mem>>
      %dma_start3A_371 = tpu.memref_squeeze %dma_start3A_370 : memref<1x!tpu.dma_semaphore, #tpu.memory_space<semaphore_mem>> -> memref<!tpu.dma_semaphore, #tpu.memory_space<semaphore_mem>>
      %dma_start3A_372 = arith.constant 0 : i32
      %dma_start3A_373 = tpu.memref_slice %arg5[%add3A_361, %dma_start3A_372] : memref<819200x128xf32, #tpu.memory_space<hbm>> -> memref<128x128xf32, #tpu.memory_space<hbm>>
      %dma_start3A_374 = arith.constant 0 : i32
      %dma_start3A_375 = arith.constant 0 : i32
      %dma_start3A_376 = tpu.memref_slice %arg8[%dma_start3A_362, %dma_start3A_374, %dma_start3A_375] : memref<4x128x128xf32, #tpu.memory_space<vmem>> -> memref<1x128x128xf32, #tpu.memory_space<vmem>>
      %dma_start3A_377 = tpu.memref_squeeze %dma_start3A_376 : memref<1x128x128xf32, #tpu.memory_space<vmem>> -> memref<128x128xf32, #tpu.memory_space<vmem>>
      tpu.enqueue_dma source(%dma_start3A_377 : memref<128x128xf32, #tpu.memory_space<vmem>>) target(%dma_start3A_373 : memref<128x128xf32, #tpu.memory_space<hbm>>) target_semaphore(%dma_start3A_371 : memref<!tpu.dma_semaphore, #tpu.memory_space<semaphore_mem>>)
      %add3A_378 = arith.constant 3 : i32
      %add3A_379 = arith.addi %add3A_344, %add3A_378 : i32
      %jit3A_380 = arith.constant 4 : i32
      %eq3A_381 = arith.constant 0 : i32
      %eq3A_382 = arith.cmpi eq, %jit3A_380, %eq3A_381 : i32
      %jit3A_383 = arith.constant 1 : i32
      %select_n3A_384 = arith.select %eq3A_382, %jit3A_383, %jit3A_380 : i32
      %rem3A_385 = arith.remsi %add3A_379, %select_n3A_384 : i32
      %ne3A_386 = arith.constant 0 : i32
      %ne3A_387 = arith.cmpi ne, %rem3A_385, %ne3A_386 : i32
      %lt3A_388 = arith.constant 0 : i32
      %lt3A_389 = arith.cmpi slt, %rem3A_385, %lt3A_388 : i32
      %lt3A_390 = arith.constant 0 : i32
      %lt3A_391 = arith.cmpi slt, %select_n3A_384, %lt3A_390 : i32
      %ne3A_392 = arith.xori %lt3A_389, %lt3A_391 : i1
      %and3A_393 = arith.andi %ne3A_392, %ne3A_387 : i1
      %add3A_394 = arith.addi %rem3A_385, %select_n3A_384 : i32
      %select_n3A_395 = arith.select %and3A_393, %add3A_394, %rem3A_385 : i32
      %add3A_396 = arith.constant 3 : i32
      %add3A_397 = arith.addi %add3A_344, %add3A_396 : i32
      %sub3A_398 = arith.constant 4 : i32
      %sub3A_399 = arith.subi %add3A_397, %sub3A_398 : i32
      %mul3A_400 = arith.constant 128 : i32
      %mul3A_401 = arith.muli %sub3A_399, %mul3A_400 : i32
      %add3A_402 = arith.addi %mul3A_2, %mul3A_401 : i32
      %dma_wait3A_403 = arith.constant 0 : i32
      %dma_wait3A_404 = arith.constant 0 : i32
      %dma_wait3A_405 = tpu.memref_slice %arg8[%select_n3A_395, %dma_wait3A_403, %dma_wait3A_404] : memref<4x128x128xf32, #tpu.memory_space<vmem>> -> memref<1x128x128xf32, #tpu.memory_space<vmem>>
      %dma_wait3A_406 = tpu.memref_squeeze %dma_wait3A_405 : memref<1x128x128xf32, #tpu.memory_space<vmem>> -> memref<128x128xf32, #tpu.memory_space<vmem>>
      %dma_wait3A_407 = arith.constant 0 : i32
      %dma_wait3A_408 = tpu.memref_slice %arg5[%add3A_402, %dma_wait3A_407] : memref<819200x128xf32, #tpu.memory_space<hbm>> -> memref<128x128xf32, #tpu.memory_space<hbm>>
      %dma_wait3A_409 = tpu.memref_slice %arg11[%select_n3A_395] : memref<4x!tpu.dma_semaphore, #tpu.memory_space<semaphore_mem>> -> memref<1x!tpu.dma_semaphore, #tpu.memory_space<semaphore_mem>>
      %dma_wait3A_410 = tpu.memref_squeeze %dma_wait3A_409 : memref<1x!tpu.dma_semaphore, #tpu.memory_space<semaphore_mem>> -> memref<!tpu.dma_semaphore, #tpu.memory_space<semaphore_mem>>
      %dma_wait3A_411 = arith.constant 0 : i32
      %dma_wait3A_412 = tpu.memref_slice %arg5[%add3A_402, %dma_wait3A_411] : memref<819200x128xf32, #tpu.memory_space<hbm>> -> memref<128x128xf32, #tpu.memory_space<hbm>>
      %dma_wait3A_413 = arith.constant 0 : i32
      %dma_wait3A_414 = arith.constant 0 : i32
      %dma_wait3A_415 = tpu.memref_slice %arg8[%select_n3A_395, %dma_wait3A_413, %dma_wait3A_414] : memref<4x128x128xf32, #tpu.memory_space<vmem>> -> memref<1x128x128xf32, #tpu.memory_space<vmem>>
      %dma_wait3A_416 = tpu.memref_squeeze %dma_wait3A_415 : memref<1x128x128xf32, #tpu.memory_space<vmem>> -> memref<128x128xf32, #tpu.memory_space<vmem>>
      tpu.wait_dma2 semaphore(%dma_wait3A_410 : memref<!tpu.dma_semaphore, #tpu.memory_space<semaphore_mem>>) src(%dma_wait3A_416 : memref<128x128xf32, #tpu.memory_space<vmem>>) dst(%dma_wait3A_412 : memref<128x128xf32, #tpu.memory_space<hbm>>)
      %add3A_417 = arith.constant 3 : i32
      %add3A_418 = arith.addi %add3A_344, %add3A_417 : i32
      %mul3A_419 = arith.constant 128 : i32
      %mul3A_420 = arith.muli %add3A_418, %mul3A_419 : i32
      %dma_start3A_421 = arith.constant 0 : i32
      %dma_start3A_422 = arith.constant 0 : i32
      %dma_start3A_423 = tpu.memref_slice %arg8[%select_n3A_395, %dma_start3A_421, %dma_start3A_422] : memref<4x128x128xf32, #tpu.memory_space<vmem>> -> memref<1x128x128xf32, #tpu.memory_space<vmem>>
      %dma_start3A_424 = tpu.memref_squeeze %dma_start3A_423 : memref<1x128x128xf32, #tpu.memory_space<vmem>> -> memref<128x128xf32, #tpu.memory_space<vmem>>
      %dma_start3A_425 = tpu.memref_slice %arg7[%mul3A_420] : memref<25600xi32, #tpu.memory_space<vmem>> -> memref<128xi32, #tpu.memory_space<vmem>>
      %dma_start3A_426 = arith.constant 0 : i32
      %dma_start3A_427 = arith.constant 0 : i32
      %dma_start3A_428 = tpu.memref_slice %arg4[%dma_start3A_426, %dma_start3A_427] : memref<100003x128xf32, #tpu.memory_space<hbm>> -> memref<100003x128xf32, #tpu.memory_space<hbm>>
      %dma_start3A_429 = tpu.memref_slice %arg10[%select_n3A_395] : memref<4x!tpu.dma_semaphore, #tpu.memory_space<semaphore_mem>> -> memref<1x!tpu.dma_semaphore, #tpu.memory_space<semaphore_mem>>
      %dma_start3A_430 = tpu.memref_squeeze %dma_start3A_429 : memref<1x!tpu.dma_semaphore, #tpu.memory_space<semaphore_mem>> -> memref<!tpu.dma_semaphore, #tpu.memory_space<semaphore_mem>>
      tpu.enqueue_indirect_dma source(%dma_start3A_428 : memref<100003x128xf32, #tpu.memory_space<hbm>>) target(%dma_start3A_424 : memref<128x128xf32, #tpu.memory_space<vmem>>) offsets(%dma_start3A_425 : memref<128xi32, #tpu.memory_space<vmem>>) semaphore(%dma_start3A_430 : memref<!tpu.dma_semaphore, #tpu.memory_space<semaphore_mem>>)
      %add3A_431 = arith.constant 2 : i32
      %add3A_432 = arith.addi %add3A_262, %add3A_431 : i32
      %mul3A_433 = arith.constant 128 : i32
      %mul3A_434 = arith.muli %add3A_432, %mul3A_433 : i32
      %dma_wait3A_435 = arith.constant 3 : i32
      %dma_wait3A_436 = arith.constant 3 : i32
      %dma_wait3A_437 = arith.constant 0 : i32
      %dma_wait3A_438 = arith.constant 0 : i32
      %dma_wait3A_439 = tpu.memref_slice %arg8[%dma_wait3A_435, %dma_wait3A_437, %dma_wait3A_438] : memref<4x128x128xf32, #tpu.memory_space<vmem>> -> memref<1x128x128xf32, #tpu.memory_space<vmem>>
      %dma_wait3A_440 = tpu.memref_squeeze %dma_wait3A_439 : memref<1x128x128xf32, #tpu.memory_space<vmem>> -> memref<128x128xf32, #tpu.memory_space<vmem>>
      %dma_wait3A_441 = tpu.memref_slice %arg7[%mul3A_434] : memref<25600xi32, #tpu.memory_space<vmem>> -> memref<128xi32, #tpu.memory_space<vmem>>
      %dma_wait3A_442 = arith.constant 0 : i32
      %dma_wait3A_443 = arith.constant 0 : i32
      %dma_wait3A_444 = tpu.memref_slice %arg4[%dma_wait3A_442, %dma_wait3A_443] : memref<100003x128xf32, #tpu.memory_space<hbm>> -> memref<100003x128xf32, #tpu.memory_space<hbm>>
      %dma_wait3A_445 = tpu.memref_slice %arg10[%dma_wait3A_436] : memref<4x!tpu.dma_semaphore, #tpu.memory_space<semaphore_mem>> -> memref<1x!tpu.dma_semaphore, #tpu.memory_space<semaphore_mem>>
      %dma_wait3A_446 = tpu.memref_squeeze %dma_wait3A_445 : memref<1x!tpu.dma_semaphore, #tpu.memory_space<semaphore_mem>> -> memref<!tpu.dma_semaphore, #tpu.memory_space<semaphore_mem>>
      tpu.wait_indirect_dma semaphore(%dma_wait3A_446 : memref<!tpu.dma_semaphore, #tpu.memory_space<semaphore_mem>>) src(%dma_wait3A_444 : memref<100003x128xf32, #tpu.memory_space<hbm>>) dst(%dma_wait3A_440 : memref<128x128xf32, #tpu.memory_space<vmem>>)
      %mul3A_447 = arith.constant 128 : i32
      %mul3A_448 = arith.muli %add3A_432, %mul3A_447 : i32
      %add3A_449 = arith.addi %mul3A_2, %mul3A_448 : i32
      %dma_start3A_450 = arith.constant 3 : i32
      %dma_start3A_451 = arith.constant 3 : i32
      %dma_start3A_452 = arith.constant 0 : i32
      %dma_start3A_453 = arith.constant 0 : i32
      %dma_start3A_454 = tpu.memref_slice %arg8[%dma_start3A_450, %dma_start3A_452, %dma_start3A_453] : memref<4x128x128xf32, #tpu.memory_space<vmem>> -> memref<1x128x128xf32, #tpu.memory_space<vmem>>
      %dma_start3A_455 = tpu.memref_squeeze %dma_start3A_454 : memref<1x128x128xf32, #tpu.memory_space<vmem>> -> memref<128x128xf32, #tpu.memory_space<vmem>>
      %dma_start3A_456 = arith.constant 0 : i32
      %dma_start3A_457 = tpu.memref_slice %arg5[%add3A_449, %dma_start3A_456] : memref<819200x128xf32, #tpu.memory_space<hbm>> -> memref<128x128xf32, #tpu.memory_space<hbm>>
      %dma_start3A_458 = tpu.memref_slice %arg11[%dma_start3A_451] : memref<4x!tpu.dma_semaphore, #tpu.memory_space<semaphore_mem>> -> memref<1x!tpu.dma_semaphore, #tpu.memory_space<semaphore_mem>>
      %dma_start3A_459 = tpu.memref_squeeze %dma_start3A_458 : memref<1x!tpu.dma_semaphore, #tpu.memory_space<semaphore_mem>> -> memref<!tpu.dma_semaphore, #tpu.memory_space<semaphore_mem>>
      %dma_start3A_460 = arith.constant 0 : i32
      %dma_start3A_461 = tpu.memref_slice %arg5[%add3A_449, %dma_start3A_460] : memref<819200x128xf32, #tpu.memory_space<hbm>> -> memref<128x128xf32, #tpu.memory_space<hbm>>
      %dma_start3A_462 = arith.constant 0 : i32
      %dma_start3A_463 = arith.constant 0 : i32
      %dma_start3A_464 = tpu.memref_slice %arg8[%dma_start3A_450, %dma_start3A_462, %dma_start3A_463] : memref<4x128x128xf32, #tpu.memory_space<vmem>> -> memref<1x128x128xf32, #tpu.memory_space<vmem>>
      %dma_start3A_465 = tpu.memref_squeeze %dma_start3A_464 : memref<1x128x128xf32, #tpu.memory_space<vmem>> -> memref<128x128xf32, #tpu.memory_space<vmem>>
      tpu.enqueue_dma source(%dma_start3A_465 : memref<128x128xf32, #tpu.memory_space<vmem>>) target(%dma_start3A_461 : memref<128x128xf32, #tpu.memory_space<hbm>>) target_semaphore(%dma_start3A_459 : memref<!tpu.dma_semaphore, #tpu.memory_space<semaphore_mem>>)
      %add3A_466 = arith.constant 3 : i32
      %add3A_467 = arith.addi %add3A_432, %add3A_466 : i32
      %jit3A_468 = arith.constant 4 : i32
      %eq3A_469 = arith.constant 0 : i32
      %eq3A_470 = arith.cmpi eq, %jit3A_468, %eq3A_469 : i32
      %jit3A_471 = arith.constant 1 : i32
      %select_n3A_472 = arith.select %eq3A_470, %jit3A_471, %jit3A_468 : i32
      %rem3A_473 = arith.remsi %add3A_467, %select_n3A_472 : i32
      %ne3A_474 = arith.constant 0 : i32
      %ne3A_475 = arith.cmpi ne, %rem3A_473, %ne3A_474 : i32
      %lt3A_476 = arith.constant 0 : i32
      %lt3A_477 = arith.cmpi slt, %rem3A_473, %lt3A_476 : i32
      %lt3A_478 = arith.constant 0 : i32
      %lt3A_479 = arith.cmpi slt, %select_n3A_472, %lt3A_478 : i32
      %ne3A_480 = arith.xori %lt3A_477, %lt3A_479 : i1
      %and3A_481 = arith.andi %ne3A_480, %ne3A_475 : i1
      %add3A_482 = arith.addi %rem3A_473, %select_n3A_472 : i32
      %select_n3A_483 = arith.select %and3A_481, %add3A_482, %rem3A_473 : i32
      %add3A_484 = arith.constant 3 : i32
      %add3A_485 = arith.addi %add3A_432, %add3A_484 : i32
      %sub3A_486 = arith.constant 4 : i32
      %sub3A_487 = arith.subi %add3A_485, %sub3A_486 : i32
      %mul3A_488 = arith.constant 128 : i32
      %mul3A_489 = arith.muli %sub3A_487, %mul3A_488 : i32
      %add3A_490 = arith.addi %mul3A_2, %mul3A_489 : i32
      %dma_wait3A_491 = arith.constant 0 : i32
      %dma_wait3A_492 = arith.constant 0 : i32
      %dma_wait3A_493 = tpu.memref_slice %arg8[%select_n3A_483, %dma_wait3A_491, %dma_wait3A_492] : memref<4x128x128xf32, #tpu.memory_space<vmem>> -> memref<1x128x128xf32, #tpu.memory_space<vmem>>
      %dma_wait3A_494 = tpu.memref_squeeze %dma_wait3A_493 : memref<1x128x128xf32, #tpu.memory_space<vmem>> -> memref<128x128xf32, #tpu.memory_space<vmem>>
      %dma_wait3A_495 = arith.constant 0 : i32
      %dma_wait3A_496 = tpu.memref_slice %arg5[%add3A_490, %dma_wait3A_495] : memref<819200x128xf32, #tpu.memory_space<hbm>> -> memref<128x128xf32, #tpu.memory_space<hbm>>
      %dma_wait3A_497 = tpu.memref_slice %arg11[%select_n3A_483] : memref<4x!tpu.dma_semaphore, #tpu.memory_space<semaphore_mem>> -> memref<1x!tpu.dma_semaphore, #tpu.memory_space<semaphore_mem>>
      %dma_wait3A_498 = tpu.memref_squeeze %dma_wait3A_497 : memref<1x!tpu.dma_semaphore, #tpu.memory_space<semaphore_mem>> -> memref<!tpu.dma_semaphore, #tpu.memory_space<semaphore_mem>>
      %dma_wait3A_499 = arith.constant 0 : i32
      %dma_wait3A_500 = tpu.memref_slice %arg5[%add3A_490, %dma_wait3A_499] : memref<819200x128xf32, #tpu.memory_space<hbm>> -> memref<128x128xf32, #tpu.memory_space<hbm>>
      %dma_wait3A_501 = arith.constant 0 : i32
      %dma_wait3A_502 = arith.constant 0 : i32
      %dma_wait3A_503 = tpu.memref_slice %arg8[%select_n3A_483, %dma_wait3A_501, %dma_wait3A_502] : memref<4x128x128xf32, #tpu.memory_space<vmem>> -> memref<1x128x128xf32, #tpu.memory_space<vmem>>
      %dma_wait3A_504 = tpu.memref_squeeze %dma_wait3A_503 : memref<1x128x128xf32, #tpu.memory_space<vmem>> -> memref<128x128xf32, #tpu.memory_space<vmem>>
      tpu.wait_dma2 semaphore(%dma_wait3A_498 : memref<!tpu.dma_semaphore, #tpu.memory_space<semaphore_mem>>) src(%dma_wait3A_504 : memref<128x128xf32, #tpu.memory_space<vmem>>) dst(%dma_wait3A_500 : memref<128x128xf32, #tpu.memory_space<hbm>>)
      %add3A_505 = arith.constant 3 : i32
      %add3A_506 = arith.addi %add3A_432, %add3A_505 : i32
      %mul3A_507 = arith.constant 128 : i32
      %mul3A_508 = arith.muli %add3A_506, %mul3A_507 : i32
      %dma_start3A_509 = arith.constant 0 : i32
      %dma_start3A_510 = arith.constant 0 : i32
      %dma_start3A_511 = tpu.memref_slice %arg8[%select_n3A_483, %dma_start3A_509, %dma_start3A_510] : memref<4x128x128xf32, #tpu.memory_space<vmem>> -> memref<1x128x128xf32, #tpu.memory_space<vmem>>
      %dma_start3A_512 = tpu.memref_squeeze %dma_start3A_511 : memref<1x128x128xf32, #tpu.memory_space<vmem>> -> memref<128x128xf32, #tpu.memory_space<vmem>>
      %dma_start3A_513 = tpu.memref_slice %arg7[%mul3A_508] : memref<25600xi32, #tpu.memory_space<vmem>> -> memref<128xi32, #tpu.memory_space<vmem>>
      %dma_start3A_514 = arith.constant 0 : i32
      %dma_start3A_515 = arith.constant 0 : i32
      %dma_start3A_516 = tpu.memref_slice %arg4[%dma_start3A_514, %dma_start3A_515] : memref<100003x128xf32, #tpu.memory_space<hbm>> -> memref<100003x128xf32, #tpu.memory_space<hbm>>
      %dma_start3A_517 = tpu.memref_slice %arg10[%select_n3A_483] : memref<4x!tpu.dma_semaphore, #tpu.memory_space<semaphore_mem>> -> memref<1x!tpu.dma_semaphore, #tpu.memory_space<semaphore_mem>>
      %dma_start3A_518 = tpu.memref_squeeze %dma_start3A_517 : memref<1x!tpu.dma_semaphore, #tpu.memory_space<semaphore_mem>> -> memref<!tpu.dma_semaphore, #tpu.memory_space<semaphore_mem>>
      tpu.enqueue_indirect_dma source(%dma_start3A_516 : memref<100003x128xf32, #tpu.memory_space<hbm>>) target(%dma_start3A_512 : memref<128x128xf32, #tpu.memory_space<vmem>>) offsets(%dma_start3A_513 : memref<128xi32, #tpu.memory_space<vmem>>) semaphore(%dma_start3A_518 : memref<!tpu.dma_semaphore, #tpu.memory_space<semaphore_mem>>)
      %add3A_519 = arith.constant 3 : i32
      %add3A_520 = arith.addi %add3A_262, %add3A_519 : i32
      %mul3A_521 = arith.constant 128 : i32
      %mul3A_522 = arith.muli %add3A_520, %mul3A_521 : i32
      %dma_wait3A_523 = arith.constant 0 : i32
      %dma_wait3A_524 = arith.constant 0 : i32
      %dma_wait3A_525 = arith.constant 0 : i32
      %dma_wait3A_526 = arith.constant 0 : i32
      %dma_wait3A_527 = tpu.memref_slice %arg8[%dma_wait3A_523, %dma_wait3A_525, %dma_wait3A_526] : memref<4x128x128xf32, #tpu.memory_space<vmem>> -> memref<1x128x128xf32, #tpu.memory_space<vmem>>
      %dma_wait3A_528 = tpu.memref_squeeze %dma_wait3A_527 : memref<1x128x128xf32, #tpu.memory_space<vmem>> -> memref<128x128xf32, #tpu.memory_space<vmem>>
      %dma_wait3A_529 = tpu.memref_slice %arg7[%mul3A_522] : memref<25600xi32, #tpu.memory_space<vmem>> -> memref<128xi32, #tpu.memory_space<vmem>>
      %dma_wait3A_530 = arith.constant 0 : i32
      %dma_wait3A_531 = arith.constant 0 : i32
      %dma_wait3A_532 = tpu.memref_slice %arg4[%dma_wait3A_530, %dma_wait3A_531] : memref<100003x128xf32, #tpu.memory_space<hbm>> -> memref<100003x128xf32, #tpu.memory_space<hbm>>
      %dma_wait3A_533 = tpu.memref_slice %arg10[%dma_wait3A_524] : memref<4x!tpu.dma_semaphore, #tpu.memory_space<semaphore_mem>> -> memref<1x!tpu.dma_semaphore, #tpu.memory_space<semaphore_mem>>
      %dma_wait3A_534 = tpu.memref_squeeze %dma_wait3A_533 : memref<1x!tpu.dma_semaphore, #tpu.memory_space<semaphore_mem>> -> memref<!tpu.dma_semaphore, #tpu.memory_space<semaphore_mem>>
      tpu.wait_indirect_dma semaphore(%dma_wait3A_534 : memref<!tpu.dma_semaphore, #tpu.memory_space<semaphore_mem>>) src(%dma_wait3A_532 : memref<100003x128xf32, #tpu.memory_space<hbm>>) dst(%dma_wait3A_528 : memref<128x128xf32, #tpu.memory_space<vmem>>)
      %mul3A_535 = arith.constant 128 : i32
      %mul3A_536 = arith.muli %add3A_520, %mul3A_535 : i32
      %add3A_537 = arith.addi %mul3A_2, %mul3A_536 : i32
      %dma_start3A_538 = arith.constant 0 : i32
      %dma_start3A_539 = arith.constant 0 : i32
      %dma_start3A_540 = arith.constant 0 : i32
      %dma_start3A_541 = arith.constant 0 : i32
      %dma_start3A_542 = tpu.memref_slice %arg8[%dma_start3A_538, %dma_start3A_540, %dma_start3A_541] : memref<4x128x128xf32, #tpu.memory_space<vmem>> -> memref<1x128x128xf32, #tpu.memory_space<vmem>>
      %dma_start3A_543 = tpu.memref_squeeze %dma_start3A_542 : memref<1x128x128xf32, #tpu.memory_space<vmem>> -> memref<128x128xf32, #tpu.memory_space<vmem>>
      %dma_start3A_544 = arith.constant 0 : i32
      %dma_start3A_545 = tpu.memref_slice %arg5[%add3A_537, %dma_start3A_544] : memref<819200x128xf32, #tpu.memory_space<hbm>> -> memref<128x128xf32, #tpu.memory_space<hbm>>
      %dma_start3A_546 = tpu.memref_slice %arg11[%dma_start3A_539] : memref<4x!tpu.dma_semaphore, #tpu.memory_space<semaphore_mem>> -> memref<1x!tpu.dma_semaphore, #tpu.memory_space<semaphore_mem>>
      %dma_start3A_547 = tpu.memref_squeeze %dma_start3A_546 : memref<1x!tpu.dma_semaphore, #tpu.memory_space<semaphore_mem>> -> memref<!tpu.dma_semaphore, #tpu.memory_space<semaphore_mem>>
      %dma_start3A_548 = arith.constant 0 : i32
      %dma_start3A_549 = tpu.memref_slice %arg5[%add3A_537, %dma_start3A_548] : memref<819200x128xf32, #tpu.memory_space<hbm>> -> memref<128x128xf32, #tpu.memory_space<hbm>>
      %dma_start3A_550 = arith.constant 0 : i32
      %dma_start3A_551 = arith.constant 0 : i32
      %dma_start3A_552 = tpu.memref_slice %arg8[%dma_start3A_538, %dma_start3A_550, %dma_start3A_551] : memref<4x128x128xf32, #tpu.memory_space<vmem>> -> memref<1x128x128xf32, #tpu.memory_space<vmem>>
      %dma_start3A_553 = tpu.memref_squeeze %dma_start3A_552 : memref<1x128x128xf32, #tpu.memory_space<vmem>> -> memref<128x128xf32, #tpu.memory_space<vmem>>
      tpu.enqueue_dma source(%dma_start3A_553 : memref<128x128xf32, #tpu.memory_space<vmem>>) target(%dma_start3A_549 : memref<128x128xf32, #tpu.memory_space<hbm>>) target_semaphore(%dma_start3A_547 : memref<!tpu.dma_semaphore, #tpu.memory_space<semaphore_mem>>)
      %add3A_554 = arith.constant 3 : i32
      %add3A_555 = arith.addi %add3A_520, %add3A_554 : i32
      %jit3A_556 = arith.constant 4 : i32
      %eq3A_557 = arith.constant 0 : i32
      %eq3A_558 = arith.cmpi eq, %jit3A_556, %eq3A_557 : i32
      %jit3A_559 = arith.constant 1 : i32
      %select_n3A_560 = arith.select %eq3A_558, %jit3A_559, %jit3A_556 : i32
      %rem3A_561 = arith.remsi %add3A_555, %select_n3A_560 : i32
      %ne3A_562 = arith.constant 0 : i32
      %ne3A_563 = arith.cmpi ne, %rem3A_561, %ne3A_562 : i32
      %lt3A_564 = arith.constant 0 : i32
      %lt3A_565 = arith.cmpi slt, %rem3A_561, %lt3A_564 : i32
      %lt3A_566 = arith.constant 0 : i32
      %lt3A_567 = arith.cmpi slt, %select_n3A_560, %lt3A_566 : i32
      %ne3A_568 = arith.xori %lt3A_565, %lt3A_567 : i1
      %and3A_569 = arith.andi %ne3A_568, %ne3A_563 : i1
      %add3A_570 = arith.addi %rem3A_561, %select_n3A_560 : i32
      %select_n3A_571 = arith.select %and3A_569, %add3A_570, %rem3A_561 : i32
      %add3A_572 = arith.constant 3 : i32
      %add3A_573 = arith.addi %add3A_520, %add3A_572 : i32
      %sub3A_574 = arith.constant 4 : i32
      %sub3A_575 = arith.subi %add3A_573, %sub3A_574 : i32
      %mul3A_576 = arith.constant 128 : i32
      %mul3A_577 = arith.muli %sub3A_575, %mul3A_576 : i32
      %add3A_578 = arith.addi %mul3A_2, %mul3A_577 : i32
      %dma_wait3A_579 = arith.constant 0 : i32
      %dma_wait3A_580 = arith.constant 0 : i32
      %dma_wait3A_581 = tpu.memref_slice %arg8[%select_n3A_571, %dma_wait3A_579, %dma_wait3A_580] : memref<4x128x128xf32, #tpu.memory_space<vmem>> -> memref<1x128x128xf32, #tpu.memory_space<vmem>>
      %dma_wait3A_582 = tpu.memref_squeeze %dma_wait3A_581 : memref<1x128x128xf32, #tpu.memory_space<vmem>> -> memref<128x128xf32, #tpu.memory_space<vmem>>
      %dma_wait3A_583 = arith.constant 0 : i32
      %dma_wait3A_584 = tpu.memref_slice %arg5[%add3A_578, %dma_wait3A_583] : memref<819200x128xf32, #tpu.memory_space<hbm>> -> memref<128x128xf32, #tpu.memory_space<hbm>>
      %dma_wait3A_585 = tpu.memref_slice %arg11[%select_n3A_571] : memref<4x!tpu.dma_semaphore, #tpu.memory_space<semaphore_mem>> -> memref<1x!tpu.dma_semaphore, #tpu.memory_space<semaphore_mem>>
      %dma_wait3A_586 = tpu.memref_squeeze %dma_wait3A_585 : memref<1x!tpu.dma_semaphore, #tpu.memory_space<semaphore_mem>> -> memref<!tpu.dma_semaphore, #tpu.memory_space<semaphore_mem>>
      %dma_wait3A_587 = arith.constant 0 : i32
      %dma_wait3A_588 = tpu.memref_slice %arg5[%add3A_578, %dma_wait3A_587] : memref<819200x128xf32, #tpu.memory_space<hbm>> -> memref<128x128xf32, #tpu.memory_space<hbm>>
      %dma_wait3A_589 = arith.constant 0 : i32
      %dma_wait3A_590 = arith.constant 0 : i32
      %dma_wait3A_591 = tpu.memref_slice %arg8[%select_n3A_571, %dma_wait3A_589, %dma_wait3A_590] : memref<4x128x128xf32, #tpu.memory_space<vmem>> -> memref<1x128x128xf32, #tpu.memory_space<vmem>>
      %dma_wait3A_592 = tpu.memref_squeeze %dma_wait3A_591 : memref<1x128x128xf32, #tpu.memory_space<vmem>> -> memref<128x128xf32, #tpu.memory_space<vmem>>
      tpu.wait_dma2 semaphore(%dma_wait3A_586 : memref<!tpu.dma_semaphore, #tpu.memory_space<semaphore_mem>>) src(%dma_wait3A_592 : memref<128x128xf32, #tpu.memory_space<vmem>>) dst(%dma_wait3A_588 : memref<128x128xf32, #tpu.memory_space<hbm>>)
      %add3A_593 = arith.constant 3 : i32
      %add3A_594 = arith.addi %add3A_520, %add3A_593 : i32
      %mul3A_595 = arith.constant 128 : i32
      %mul3A_596 = arith.muli %add3A_594, %mul3A_595 : i32
      %dma_start3A_597 = arith.constant 0 : i32
      %dma_start3A_598 = arith.constant 0 : i32
      %dma_start3A_599 = tpu.memref_slice %arg8[%select_n3A_571, %dma_start3A_597, %dma_start3A_598] : memref<4x128x128xf32, #tpu.memory_space<vmem>> -> memref<1x128x128xf32, #tpu.memory_space<vmem>>
      %dma_start3A_600 = tpu.memref_squeeze %dma_start3A_599 : memref<1x128x128xf32, #tpu.memory_space<vmem>> -> memref<128x128xf32, #tpu.memory_space<vmem>>
      %dma_start3A_601 = tpu.memref_slice %arg7[%mul3A_596] : memref<25600xi32, #tpu.memory_space<vmem>> -> memref<128xi32, #tpu.memory_space<vmem>>
      %dma_start3A_602 = arith.constant 0 : i32
      %dma_start3A_603 = arith.constant 0 : i32
      %dma_start3A_604 = tpu.memref_slice %arg4[%dma_start3A_602, %dma_start3A_603] : memref<100003x128xf32, #tpu.memory_space<hbm>> -> memref<100003x128xf32, #tpu.memory_space<hbm>>
      %dma_start3A_605 = tpu.memref_slice %arg10[%select_n3A_571] : memref<4x!tpu.dma_semaphore, #tpu.memory_space<semaphore_mem>> -> memref<1x!tpu.dma_semaphore, #tpu.memory_space<semaphore_mem>>
      %dma_start3A_606 = tpu.memref_squeeze %dma_start3A_605 : memref<1x!tpu.dma_semaphore, #tpu.memory_space<semaphore_mem>> -> memref<!tpu.dma_semaphore, #tpu.memory_space<semaphore_mem>>
      tpu.enqueue_indirect_dma source(%dma_start3A_604 : memref<100003x128xf32, #tpu.memory_space<hbm>>) target(%dma_start3A_600 : memref<128x128xf32, #tpu.memory_space<vmem>>) offsets(%dma_start3A_601 : memref<128xi32, #tpu.memory_space<vmem>>) semaphore(%dma_start3A_606 : memref<!tpu.dma_semaphore, #tpu.memory_space<semaphore_mem>>)
    }
    %scan3A_92 = arith.constant 49 : i32
    %dma_wait3A_93 = arith.constant 1 : i32
    %dma_wait3A_94 = arith.constant 1 : i32
    %dma_wait3A_95 = arith.constant 0 : i32
    %dma_wait3A_96 = arith.constant 0 : i32
    %dma_wait3A_97 = tpu.memref_slice %arg8[%dma_wait3A_93, %dma_wait3A_95, %dma_wait3A_96] : memref<4x128x128xf32, #tpu.memory_space<vmem>> -> memref<1x128x128xf32, #tpu.memory_space<vmem>>
    %dma_wait3A_98 = tpu.memref_squeeze %dma_wait3A_97 : memref<1x128x128xf32, #tpu.memory_space<vmem>> -> memref<128x128xf32, #tpu.memory_space<vmem>>
    %dma_wait3A_99 = arith.constant 25216 : i32
    %dma_wait3A_100 = tpu.memref_slice %arg7[%dma_wait3A_99] : memref<25600xi32, #tpu.memory_space<vmem>> -> memref<128xi32, #tpu.memory_space<vmem>>
    %dma_wait3A_101 = arith.constant 0 : i32
    %dma_wait3A_102 = arith.constant 0 : i32
    %dma_wait3A_103 = tpu.memref_slice %arg4[%dma_wait3A_101, %dma_wait3A_102] : memref<100003x128xf32, #tpu.memory_space<hbm>> -> memref<100003x128xf32, #tpu.memory_space<hbm>>
    %dma_wait3A_104 = tpu.memref_slice %arg10[%dma_wait3A_94] : memref<4x!tpu.dma_semaphore, #tpu.memory_space<semaphore_mem>> -> memref<1x!tpu.dma_semaphore, #tpu.memory_space<semaphore_mem>>
    %dma_wait3A_105 = tpu.memref_squeeze %dma_wait3A_104 : memref<1x!tpu.dma_semaphore, #tpu.memory_space<semaphore_mem>> -> memref<!tpu.dma_semaphore, #tpu.memory_space<semaphore_mem>>
    tpu.wait_indirect_dma semaphore(%dma_wait3A_105 : memref<!tpu.dma_semaphore, #tpu.memory_space<semaphore_mem>>) src(%dma_wait3A_103 : memref<100003x128xf32, #tpu.memory_space<hbm>>) dst(%dma_wait3A_98 : memref<128x128xf32, #tpu.memory_space<vmem>>)
    %add3A_106 = arith.constant 25216 : i32
    %add3A_107 = arith.addi %mul3A_2, %add3A_106 : i32
    %dma_start3A_108 = arith.constant 1 : i32
    %dma_start3A_109 = arith.constant 1 : i32
    %dma_start3A_110 = arith.constant 0 : i32
    %dma_start3A_111 = arith.constant 0 : i32
    %dma_start3A_112 = tpu.memref_slice %arg8[%dma_start3A_108, %dma_start3A_110, %dma_start3A_111] : memref<4x128x128xf32, #tpu.memory_space<vmem>> -> memref<1x128x128xf32, #tpu.memory_space<vmem>>
    %dma_start3A_113 = tpu.memref_squeeze %dma_start3A_112 : memref<1x128x128xf32, #tpu.memory_space<vmem>> -> memref<128x128xf32, #tpu.memory_space<vmem>>
    %dma_start3A_114 = arith.constant 0 : i32
    %dma_start3A_115 = tpu.memref_slice %arg5[%add3A_107, %dma_start3A_114] : memref<819200x128xf32, #tpu.memory_space<hbm>> -> memref<128x128xf32, #tpu.memory_space<hbm>>
    %dma_start3A_116 = tpu.memref_slice %arg11[%dma_start3A_109] : memref<4x!tpu.dma_semaphore, #tpu.memory_space<semaphore_mem>> -> memref<1x!tpu.dma_semaphore, #tpu.memory_space<semaphore_mem>>
    %dma_start3A_117 = tpu.memref_squeeze %dma_start3A_116 : memref<1x!tpu.dma_semaphore, #tpu.memory_space<semaphore_mem>> -> memref<!tpu.dma_semaphore, #tpu.memory_space<semaphore_mem>>
    %dma_start3A_118 = arith.constant 0 : i32
    %dma_start3A_119 = tpu.memref_slice %arg5[%add3A_107, %dma_start3A_118] : memref<819200x128xf32, #tpu.memory_space<hbm>> -> memref<128x128xf32, #tpu.memory_space<hbm>>
    %dma_start3A_120 = arith.constant 0 : i32
    %dma_start3A_121 = arith.constant 0 : i32
    %dma_start3A_122 = tpu.memref_slice %arg8[%dma_start3A_108, %dma_start3A_120, %dma_start3A_121] : memref<4x128x128xf32, #tpu.memory_space<vmem>> -> memref<1x128x128xf32, #tpu.memory_space<vmem>>
    %dma_start3A_123 = tpu.memref_squeeze %dma_start3A_122 : memref<1x128x128xf32, #tpu.memory_space<vmem>> -> memref<128x128xf32, #tpu.memory_space<vmem>>
    tpu.enqueue_dma source(%dma_start3A_123 : memref<128x128xf32, #tpu.memory_space<vmem>>) target(%dma_start3A_119 : memref<128x128xf32, #tpu.memory_space<hbm>>) target_semaphore(%dma_start3A_117 : memref<!tpu.dma_semaphore, #tpu.memory_space<semaphore_mem>>)
    %add3A_124 = arith.constant 25088 : i32
    %add3A_125 = arith.addi %mul3A_2, %add3A_124 : i32
    %dma_wait3A_126 = arith.constant 0 : i32
    %dma_wait3A_127 = arith.constant 0 : i32
    %dma_wait3A_128 = arith.constant 0 : i32
    %dma_wait3A_129 = arith.constant 0 : i32
    %dma_wait3A_130 = tpu.memref_slice %arg8[%dma_wait3A_126, %dma_wait3A_128, %dma_wait3A_129] : memref<4x128x128xf32, #tpu.memory_space<vmem>> -> memref<1x128x128xf32, #tpu.memory_space<vmem>>
    %dma_wait3A_131 = tpu.memref_squeeze %dma_wait3A_130 : memref<1x128x128xf32, #tpu.memory_space<vmem>> -> memref<128x128xf32, #tpu.memory_space<vmem>>
    %dma_wait3A_132 = arith.constant 0 : i32
    %dma_wait3A_133 = tpu.memref_slice %arg5[%add3A_125, %dma_wait3A_132] : memref<819200x128xf32, #tpu.memory_space<hbm>> -> memref<128x128xf32, #tpu.memory_space<hbm>>
    %dma_wait3A_134 = tpu.memref_slice %arg11[%dma_wait3A_127] : memref<4x!tpu.dma_semaphore, #tpu.memory_space<semaphore_mem>> -> memref<1x!tpu.dma_semaphore, #tpu.memory_space<semaphore_mem>>
    %dma_wait3A_135 = tpu.memref_squeeze %dma_wait3A_134 : memref<1x!tpu.dma_semaphore, #tpu.memory_space<semaphore_mem>> -> memref<!tpu.dma_semaphore, #tpu.memory_space<semaphore_mem>>
    %dma_wait3A_136 = arith.constant 0 : i32
    %dma_wait3A_137 = tpu.memref_slice %arg5[%add3A_125, %dma_wait3A_136] : memref<819200x128xf32, #tpu.memory_space<hbm>> -> memref<128x128xf32, #tpu.memory_space<hbm>>
    %dma_wait3A_138 = arith.constant 0 : i32
    %dma_wait3A_139 = arith.constant 0 : i32
    %dma_wait3A_140 = tpu.memref_slice %arg8[%dma_wait3A_126, %dma_wait3A_138, %dma_wait3A_139] : memref<4x128x128xf32, #tpu.memory_space<vmem>> -> memref<1x128x128xf32, #tpu.memory_space<vmem>>
    %dma_wait3A_141 = tpu.memref_squeeze %dma_wait3A_140 : memref<1x128x128xf32, #tpu.memory_space<vmem>> -> memref<128x128xf32, #tpu.memory_space<vmem>>
    tpu.wait_dma2 semaphore(%dma_wait3A_135 : memref<!tpu.dma_semaphore, #tpu.memory_space<semaphore_mem>>) src(%dma_wait3A_141 : memref<128x128xf32, #tpu.memory_space<vmem>>) dst(%dma_wait3A_137 : memref<128x128xf32, #tpu.memory_space<hbm>>)
    %dma_wait3A_142 = arith.constant 2 : i32
    %dma_wait3A_143 = arith.constant 2 : i32
    %dma_wait3A_144 = arith.constant 0 : i32
    %dma_wait3A_145 = arith.constant 0 : i32
    %dma_wait3A_146 = tpu.memref_slice %arg8[%dma_wait3A_142, %dma_wait3A_144, %dma_wait3A_145] : memref<4x128x128xf32, #tpu.memory_space<vmem>> -> memref<1x128x128xf32, #tpu.memory_space<vmem>>
    %dma_wait3A_147 = tpu.memref_squeeze %dma_wait3A_146 : memref<1x128x128xf32, #tpu.memory_space<vmem>> -> memref<128x128xf32, #tpu.memory_space<vmem>>
    %dma_wait3A_148 = arith.constant 25344 : i32
    %dma_wait3A_149 = tpu.memref_slice %arg7[%dma_wait3A_148] : memref<25600xi32, #tpu.memory_space<vmem>> -> memref<128xi32, #tpu.memory_space<vmem>>
    %dma_wait3A_150 = arith.constant 0 : i32
    %dma_wait3A_151 = arith.constant 0 : i32
    %dma_wait3A_152 = tpu.memref_slice %arg4[%dma_wait3A_150, %dma_wait3A_151] : memref<100003x128xf32, #tpu.memory_space<hbm>> -> memref<100003x128xf32, #tpu.memory_space<hbm>>
    %dma_wait3A_153 = tpu.memref_slice %arg10[%dma_wait3A_143] : memref<4x!tpu.dma_semaphore, #tpu.memory_space<semaphore_mem>> -> memref<1x!tpu.dma_semaphore, #tpu.memory_space<semaphore_mem>>
    %dma_wait3A_154 = tpu.memref_squeeze %dma_wait3A_153 : memref<1x!tpu.dma_semaphore, #tpu.memory_space<semaphore_mem>> -> memref<!tpu.dma_semaphore, #tpu.memory_space<semaphore_mem>>
    tpu.wait_indirect_dma semaphore(%dma_wait3A_154 : memref<!tpu.dma_semaphore, #tpu.memory_space<semaphore_mem>>) src(%dma_wait3A_152 : memref<100003x128xf32, #tpu.memory_space<hbm>>) dst(%dma_wait3A_147 : memref<128x128xf32, #tpu.memory_space<vmem>>)
    %add3A_155 = arith.constant 25344 : i32
    %add3A_156 = arith.addi %mul3A_2, %add3A_155 : i32
    %dma_start3A_157 = arith.constant 2 : i32
    %dma_start3A_158 = arith.constant 2 : i32
    %dma_start3A_159 = arith.constant 0 : i32
    %dma_start3A_160 = arith.constant 0 : i32
    %dma_start3A_161 = tpu.memref_slice %arg8[%dma_start3A_157, %dma_start3A_159, %dma_start3A_160] : memref<4x128x128xf32, #tpu.memory_space<vmem>> -> memref<1x128x128xf32, #tpu.memory_space<vmem>>
    %dma_start3A_162 = tpu.memref_squeeze %dma_start3A_161 : memref<1x128x128xf32, #tpu.memory_space<vmem>> -> memref<128x128xf32, #tpu.memory_space<vmem>>
    %dma_start3A_163 = arith.constant 0 : i32
    %dma_start3A_164 = tpu.memref_slice %arg5[%add3A_156, %dma_start3A_163] : memref<819200x128xf32, #tpu.memory_space<hbm>> -> memref<128x128xf32, #tpu.memory_space<hbm>>
    %dma_start3A_165 = tpu.memref_slice %arg11[%dma_start3A_158] : memref<4x!tpu.dma_semaphore, #tpu.memory_space<semaphore_mem>> -> memref<1x!tpu.dma_semaphore, #tpu.memory_space<semaphore_mem>>
    %dma_start3A_166 = tpu.memref_squeeze %dma_start3A_165 : memref<1x!tpu.dma_semaphore, #tpu.memory_space<semaphore_mem>> -> memref<!tpu.dma_semaphore, #tpu.memory_space<semaphore_mem>>
    %dma_start3A_167 = arith.constant 0 : i32
    %dma_start3A_168 = tpu.memref_slice %arg5[%add3A_156, %dma_start3A_167] : memref<819200x128xf32, #tpu.memory_space<hbm>> -> memref<128x128xf32, #tpu.memory_space<hbm>>
    %dma_start3A_169 = arith.constant 0 : i32
    %dma_start3A_170 = arith.constant 0 : i32
    %dma_start3A_171 = tpu.memref_slice %arg8[%dma_start3A_157, %dma_start3A_169, %dma_start3A_170] : memref<4x128x128xf32, #tpu.memory_space<vmem>> -> memref<1x128x128xf32, #tpu.memory_space<vmem>>
    %dma_start3A_172 = tpu.memref_squeeze %dma_start3A_171 : memref<1x128x128xf32, #tpu.memory_space<vmem>> -> memref<128x128xf32, #tpu.memory_space<vmem>>
    tpu.enqueue_dma source(%dma_start3A_172 : memref<128x128xf32, #tpu.memory_space<vmem>>) target(%dma_start3A_168 : memref<128x128xf32, #tpu.memory_space<hbm>>) target_semaphore(%dma_start3A_166 : memref<!tpu.dma_semaphore, #tpu.memory_space<semaphore_mem>>)
    %add3A_173 = arith.constant 25216 : i32
    %add3A_174 = arith.addi %mul3A_2, %add3A_173 : i32
    %dma_wait3A_175 = arith.constant 1 : i32
    %dma_wait3A_176 = arith.constant 1 : i32
    %dma_wait3A_177 = arith.constant 0 : i32
    %dma_wait3A_178 = arith.constant 0 : i32
    %dma_wait3A_179 = tpu.memref_slice %arg8[%dma_wait3A_175, %dma_wait3A_177, %dma_wait3A_178] : memref<4x128x128xf32, #tpu.memory_space<vmem>> -> memref<1x128x128xf32, #tpu.memory_space<vmem>>
    %dma_wait3A_180 = tpu.memref_squeeze %dma_wait3A_179 : memref<1x128x128xf32, #tpu.memory_space<vmem>> -> memref<128x128xf32, #tpu.memory_space<vmem>>
    %dma_wait3A_181 = arith.constant 0 : i32
    %dma_wait3A_182 = tpu.memref_slice %arg5[%add3A_174, %dma_wait3A_181] : memref<819200x128xf32, #tpu.memory_space<hbm>> -> memref<128x128xf32, #tpu.memory_space<hbm>>
    %dma_wait3A_183 = tpu.memref_slice %arg11[%dma_wait3A_176] : memref<4x!tpu.dma_semaphore, #tpu.memory_space<semaphore_mem>> -> memref<1x!tpu.dma_semaphore, #tpu.memory_space<semaphore_mem>>
    %dma_wait3A_184 = tpu.memref_squeeze %dma_wait3A_183 : memref<1x!tpu.dma_semaphore, #tpu.memory_space<semaphore_mem>> -> memref<!tpu.dma_semaphore, #tpu.memory_space<semaphore_mem>>
    %dma_wait3A_185 = arith.constant 0 : i32
    %dma_wait3A_186 = tpu.memref_slice %arg5[%add3A_174, %dma_wait3A_185] : memref<819200x128xf32, #tpu.memory_space<hbm>> -> memref<128x128xf32, #tpu.memory_space<hbm>>
    %dma_wait3A_187 = arith.constant 0 : i32
    %dma_wait3A_188 = arith.constant 0 : i32
    %dma_wait3A_189 = tpu.memref_slice %arg8[%dma_wait3A_175, %dma_wait3A_187, %dma_wait3A_188] : memref<4x128x128xf32, #tpu.memory_space<vmem>> -> memref<1x128x128xf32, #tpu.memory_space<vmem>>
    %dma_wait3A_190 = tpu.memref_squeeze %dma_wait3A_189 : memref<1x128x128xf32, #tpu.memory_space<vmem>> -> memref<128x128xf32, #tpu.memory_space<vmem>>
    tpu.wait_dma2 semaphore(%dma_wait3A_184 : memref<!tpu.dma_semaphore, #tpu.memory_space<semaphore_mem>>) src(%dma_wait3A_190 : memref<128x128xf32, #tpu.memory_space<vmem>>) dst(%dma_wait3A_186 : memref<128x128xf32, #tpu.memory_space<hbm>>)
    %dma_wait3A_191 = arith.constant 3 : i32
    %dma_wait3A_192 = arith.constant 3 : i32
    %dma_wait3A_193 = arith.constant 0 : i32
    %dma_wait3A_194 = arith.constant 0 : i32
    %dma_wait3A_195 = tpu.memref_slice %arg8[%dma_wait3A_191, %dma_wait3A_193, %dma_wait3A_194] : memref<4x128x128xf32, #tpu.memory_space<vmem>> -> memref<1x128x128xf32, #tpu.memory_space<vmem>>
    %dma_wait3A_196 = tpu.memref_squeeze %dma_wait3A_195 : memref<1x128x128xf32, #tpu.memory_space<vmem>> -> memref<128x128xf32, #tpu.memory_space<vmem>>
    %dma_wait3A_197 = arith.constant 25472 : i32
    %dma_wait3A_198 = tpu.memref_slice %arg7[%dma_wait3A_197] : memref<25600xi32, #tpu.memory_space<vmem>> -> memref<128xi32, #tpu.memory_space<vmem>>
    %dma_wait3A_199 = arith.constant 0 : i32
    %dma_wait3A_200 = arith.constant 0 : i32
    %dma_wait3A_201 = tpu.memref_slice %arg4[%dma_wait3A_199, %dma_wait3A_200] : memref<100003x128xf32, #tpu.memory_space<hbm>> -> memref<100003x128xf32, #tpu.memory_space<hbm>>
    %dma_wait3A_202 = tpu.memref_slice %arg10[%dma_wait3A_192] : memref<4x!tpu.dma_semaphore, #tpu.memory_space<semaphore_mem>> -> memref<1x!tpu.dma_semaphore, #tpu.memory_space<semaphore_mem>>
    %dma_wait3A_203 = tpu.memref_squeeze %dma_wait3A_202 : memref<1x!tpu.dma_semaphore, #tpu.memory_space<semaphore_mem>> -> memref<!tpu.dma_semaphore, #tpu.memory_space<semaphore_mem>>
    tpu.wait_indirect_dma semaphore(%dma_wait3A_203 : memref<!tpu.dma_semaphore, #tpu.memory_space<semaphore_mem>>) src(%dma_wait3A_201 : memref<100003x128xf32, #tpu.memory_space<hbm>>) dst(%dma_wait3A_196 : memref<128x128xf32, #tpu.memory_space<vmem>>)
    %add3A_204 = arith.constant 25472 : i32
    %add3A_205 = arith.addi %mul3A_2, %add3A_204 : i32
    %dma_start3A_206 = arith.constant 3 : i32
    %dma_start3A_207 = arith.constant 3 : i32
    %dma_start3A_208 = arith.constant 0 : i32
    %dma_start3A_209 = arith.constant 0 : i32
    %dma_start3A_210 = tpu.memref_slice %arg8[%dma_start3A_206, %dma_start3A_208, %dma_start3A_209] : memref<4x128x128xf32, #tpu.memory_space<vmem>> -> memref<1x128x128xf32, #tpu.memory_space<vmem>>
    %dma_start3A_211 = tpu.memref_squeeze %dma_start3A_210 : memref<1x128x128xf32, #tpu.memory_space<vmem>> -> memref<128x128xf32, #tpu.memory_space<vmem>>
    %dma_start3A_212 = arith.constant 0 : i32
    %dma_start3A_213 = tpu.memref_slice %arg5[%add3A_205, %dma_start3A_212] : memref<819200x128xf32, #tpu.memory_space<hbm>> -> memref<128x128xf32, #tpu.memory_space<hbm>>
    %dma_start3A_214 = tpu.memref_slice %arg11[%dma_start3A_207] : memref<4x!tpu.dma_semaphore, #tpu.memory_space<semaphore_mem>> -> memref<1x!tpu.dma_semaphore, #tpu.memory_space<semaphore_mem>>
    %dma_start3A_215 = tpu.memref_squeeze %dma_start3A_214 : memref<1x!tpu.dma_semaphore, #tpu.memory_space<semaphore_mem>> -> memref<!tpu.dma_semaphore, #tpu.memory_space<semaphore_mem>>
    %dma_start3A_216 = arith.constant 0 : i32
    %dma_start3A_217 = tpu.memref_slice %arg5[%add3A_205, %dma_start3A_216] : memref<819200x128xf32, #tpu.memory_space<hbm>> -> memref<128x128xf32, #tpu.memory_space<hbm>>
    %dma_start3A_218 = arith.constant 0 : i32
    %dma_start3A_219 = arith.constant 0 : i32
    %dma_start3A_220 = tpu.memref_slice %arg8[%dma_start3A_206, %dma_start3A_218, %dma_start3A_219] : memref<4x128x128xf32, #tpu.memory_space<vmem>> -> memref<1x128x128xf32, #tpu.memory_space<vmem>>
    %dma_start3A_221 = tpu.memref_squeeze %dma_start3A_220 : memref<1x128x128xf32, #tpu.memory_space<vmem>> -> memref<128x128xf32, #tpu.memory_space<vmem>>
    tpu.enqueue_dma source(%dma_start3A_221 : memref<128x128xf32, #tpu.memory_space<vmem>>) target(%dma_start3A_217 : memref<128x128xf32, #tpu.memory_space<hbm>>) target_semaphore(%dma_start3A_215 : memref<!tpu.dma_semaphore, #tpu.memory_space<semaphore_mem>>)
    %add3A_222 = arith.constant 25344 : i32
    %add3A_223 = arith.addi %mul3A_2, %add3A_222 : i32
    %dma_wait3A_224 = arith.constant 2 : i32
    %dma_wait3A_225 = arith.constant 2 : i32
    %dma_wait3A_226 = arith.constant 0 : i32
    %dma_wait3A_227 = arith.constant 0 : i32
    %dma_wait3A_228 = tpu.memref_slice %arg8[%dma_wait3A_224, %dma_wait3A_226, %dma_wait3A_227] : memref<4x128x128xf32, #tpu.memory_space<vmem>> -> memref<1x128x128xf32, #tpu.memory_space<vmem>>
    %dma_wait3A_229 = tpu.memref_squeeze %dma_wait3A_228 : memref<1x128x128xf32, #tpu.memory_space<vmem>> -> memref<128x128xf32, #tpu.memory_space<vmem>>
    %dma_wait3A_230 = arith.constant 0 : i32
    %dma_wait3A_231 = tpu.memref_slice %arg5[%add3A_223, %dma_wait3A_230] : memref<819200x128xf32, #tpu.memory_space<hbm>> -> memref<128x128xf32, #tpu.memory_space<hbm>>
    %dma_wait3A_232 = tpu.memref_slice %arg11[%dma_wait3A_225] : memref<4x!tpu.dma_semaphore, #tpu.memory_space<semaphore_mem>> -> memref<1x!tpu.dma_semaphore, #tpu.memory_space<semaphore_mem>>
    %dma_wait3A_233 = tpu.memref_squeeze %dma_wait3A_232 : memref<1x!tpu.dma_semaphore, #tpu.memory_space<semaphore_mem>> -> memref<!tpu.dma_semaphore, #tpu.memory_space<semaphore_mem>>
    %dma_wait3A_234 = arith.constant 0 : i32
    %dma_wait3A_235 = tpu.memref_slice %arg5[%add3A_223, %dma_wait3A_234] : memref<819200x128xf32, #tpu.memory_space<hbm>> -> memref<128x128xf32, #tpu.memory_space<hbm>>
    %dma_wait3A_236 = arith.constant 0 : i32
    %dma_wait3A_237 = arith.constant 0 : i32
    %dma_wait3A_238 = tpu.memref_slice %arg8[%dma_wait3A_224, %dma_wait3A_236, %dma_wait3A_237] : memref<4x128x128xf32, #tpu.memory_space<vmem>> -> memref<1x128x128xf32, #tpu.memory_space<vmem>>
    %dma_wait3A_239 = tpu.memref_squeeze %dma_wait3A_238 : memref<1x128x128xf32, #tpu.memory_space<vmem>> -> memref<128x128xf32, #tpu.memory_space<vmem>>
    tpu.wait_dma2 semaphore(%dma_wait3A_233 : memref<!tpu.dma_semaphore, #tpu.memory_space<semaphore_mem>>) src(%dma_wait3A_239 : memref<128x128xf32, #tpu.memory_space<vmem>>) dst(%dma_wait3A_235 : memref<128x128xf32, #tpu.memory_space<hbm>>)
    %add3A_240 = arith.constant 25472 : i32
    %add3A_241 = arith.addi %mul3A_2, %add3A_240 : i32
    %dma_wait3A_242 = arith.constant 3 : i32
    %dma_wait3A_243 = arith.constant 3 : i32
    %dma_wait3A_244 = arith.constant 0 : i32
    %dma_wait3A_245 = arith.constant 0 : i32
    %dma_wait3A_246 = tpu.memref_slice %arg8[%dma_wait3A_242, %dma_wait3A_244, %dma_wait3A_245] : memref<4x128x128xf32, #tpu.memory_space<vmem>> -> memref<1x128x128xf32, #tpu.memory_space<vmem>>
    %dma_wait3A_247 = tpu.memref_squeeze %dma_wait3A_246 : memref<1x128x128xf32, #tpu.memory_space<vmem>> -> memref<128x128xf32, #tpu.memory_space<vmem>>
    %dma_wait3A_248 = arith.constant 0 : i32
    %dma_wait3A_249 = tpu.memref_slice %arg5[%add3A_241, %dma_wait3A_248] : memref<819200x128xf32, #tpu.memory_space<hbm>> -> memref<128x128xf32, #tpu.memory_space<hbm>>
    %dma_wait3A_250 = tpu.memref_slice %arg11[%dma_wait3A_243] : memref<4x!tpu.dma_semaphore, #tpu.memory_space<semaphore_mem>> -> memref<1x!tpu.dma_semaphore, #tpu.memory_space<semaphore_mem>>
    %dma_wait3A_251 = tpu.memref_squeeze %dma_wait3A_250 : memref<1x!tpu.dma_semaphore, #tpu.memory_space<semaphore_mem>> -> memref<!tpu.dma_semaphore, #tpu.memory_space<semaphore_mem>>
    %dma_wait3A_252 = arith.constant 0 : i32
    %dma_wait3A_253 = tpu.memref_slice %arg5[%add3A_241, %dma_wait3A_252] : memref<819200x128xf32, #tpu.memory_space<hbm>> -> memref<128x128xf32, #tpu.memory_space<hbm>>
    %dma_wait3A_254 = arith.constant 0 : i32
    %dma_wait3A_255 = arith.constant 0 : i32
    %dma_wait3A_256 = tpu.memref_slice %arg8[%dma_wait3A_242, %dma_wait3A_254, %dma_wait3A_255] : memref<4x128x128xf32, #tpu.memory_space<vmem>> -> memref<1x128x128xf32, #tpu.memory_space<vmem>>
    %dma_wait3A_257 = tpu.memref_squeeze %dma_wait3A_256 : memref<1x128x128xf32, #tpu.memory_space<vmem>> -> memref<128x128xf32, #tpu.memory_space<vmem>>
    tpu.wait_dma2 semaphore(%dma_wait3A_251 : memref<!tpu.dma_semaphore, #tpu.memory_space<semaphore_mem>>) src(%dma_wait3A_257 : memref<128x128xf32, #tpu.memory_space<vmem>>) dst(%dma_wait3A_253 : memref<128x128xf32, #tpu.memory_space<hbm>>)
    return
  }
}

</mosaic_0001>

<sc_bundles>
// kernel: kernel.3.cloned.1.call-start
scs
__scs_entry_jumppad:
0x0: {  	(pc) =	sbr.rel $0x88, $3  }
0x1: {  	(tag) =	ssettag $0x0;
	lr =	simm.s32 $0x1  }
0x2: {  	[smem:$0x3F9E] =	sst lr;
	_ =	strace $0xD0000000  }
0x3: {  	_ = 	snop  }
0x4: {  	_ = 	snop  }
0x5: {  	_ = 	snop  }
0x6: {  	_ = 	snop  }
0x7: {  	_ = 	snop  }
__scs_overlays_trampoline_lowered:
0x8: {  	[smem:$0x3FAD] =	sst s0  }
0x9: {  	[smem:$0x3FAE] =	sst s1  }
0xa: {  	[smem:$0x3FAF] =	sst s2  }
0xb: {  	[smem:$0x3FB0] =	sst s3  }
0xc: {  	[smem:$0x3FB1] =	sst s4  }
0xd: {  	[smem:$0x3FB2] =	sst s5  }
0xe: {  	[smem:$0x3FB3] =	sst s6  }
0xf: {  	[smem:$0x3FB4] =	sst s7  }
0x10: {  	[smem:$0x3FB5] =	sst s8  }
0x11: {  	[smem:$0x3FB6] =	sst s9;
	s0 =	simm.s32 @!p0 $0x0  }
0x12: {  	s1 =	sld [smem:$0x3F9C];
	s0 =	simm.s32 @p0 $0x1  }
0x13: {  	[smem:$0x3FB7] =	sst s0;
	s0 =	simm.s32 @!p1 $0x0  }
0x14: {  	s2 =	sld [smem:$0x3F9B];
	s0 =	simm.s32 @p1 $0x1  }
0x15: {  	[smem:$0x3FB8] =	sst s0;
	s0 =	simm.s32 @!p2 $0x0  }
0x16: {  	s3 =	sld [smem:$0x3FDB];
	s0 =	simm.s32 @p2 $0x1  }
0x17: {  	s4 =	simm.s32 $0x1BF5;
	[smem:$0x3FBA] =	sst s0  }
0x18: {  	s0 =	sld [smem:$0x3F9D];
	_ =	swait.ge [sflag:s4], $0x0  }
0x19: {  	s7 =	sld [smem:$0x3F9E]  }
0x1a: {  	s8 =	sadd.s32 $0xFFFFE003, lr  }
0x1b: {  	s9 =	sadd.s32 $0xFFFFFEF7, lr;
	s5 =	simm.s32 $0xFFFFFFFF;
	p2 =	slt.u32 s8, $0xFFFFF086  }
0x1c: {  	p1 =	slt.u32 s9, $0xF7A;
	s5 =	simm.s32 @!p2 $0x0  }
0x1d: {  	s5 =	simm.s32 @p1 $0x1;
	p0 =	seq.s32 s7, s2  }
0x1e: {  	s7 =	smul.u32 @!p0 $0xF7A, s2;
	p2 =	seq.s32 @!p0 s5, $0x0  }
0x1f: {  	s9 =	smul.u32 $0xF7A, s1;
	s8 =	simm.s32 @!p0 $0x1BF5;
	p2 =	por !p2, p0  }
0x20: {  	[sflag:s8] =	ssyncset.s32 @!p0 $0xFFFFF086;
	s6 =	sadd.s32 @!p0 s3, s7;
	s7 =	simm.s32 @!p0 $0x108  }
0x21: {  	s3 =	sadd.s32 s3, s9;
	s6 =	sadd.s32 @!p0 $0x88, s6;
	s7 =	simm.s32 @p2 $0x1082  }
0x22: {  	[simem:s7], [sflag:s8] =	dma.local @!p0 [hbm:s6], $0xF7A  }
0x23: {  	s9 =	sor.u32 $0xD0000000, s2;
	s6 =	simm.s32 $0x108;
	_ =	swait.ge @!p0 [sflag:s8], $0x0  }
0x24: {  	s3 =	sadd.s32 $0x88, s3;
	s6 =	simm.s32 @!p1 $0x1082;
	[sflag:s4] =	ssyncset.s32 $0xFFFFF086  }
0x25: {  	[simem:s6], [sflag:s4] =	dma.local [hbm:s3], $0xF7A  }
0x26: {  	[smem:$0x3F9E] =	sst s1;
	(tag) =	ssettag s2;
	_ =	strace s9  }
0x27: {  	s1 =	sld [smem:$0x3FAE]  }
0x28: {  	s2 =	sld [smem:$0x3FAF]  }
0x29: {  	s4 =	sld [smem:$0x3FB1]  }
0x2a: {  	p0 =	seq.s32 s5, $0x0;
	s5 =	sld [smem:$0x3FB2]  }
0x2b: {  	s6 =	sld [smem:$0x3FB3]  }
0x2c: {  	s7 =	sld [smem:$0x3FB4]  }
0x2d: {  	s3 =	simm.s32 $0x108;
	s8 =	sld [smem:$0x3FB5]  }
0x2e: {  	s3 =	simm.s32 @!p0 $0x1082;
	s9 =	sld [smem:$0x3FB6]  }
0x2f: {  	lr =	sadd.s32 s0, s3;
	s0 =	sld [smem:$0x3FAD]  }
0x30: {  	s3 =	sld [smem:$0x3FB0]  }
0x31: {  	[smem:$0x3FB9] =	sst s10  }
0x32: {  	s10 =	sld [smem:$0x3FB7];
	_ =	sdelay $0x3  }
0x33: {  	p0 =	seq.s32 s10, $0x1;
	s10 =	sld [smem:$0x3FB9];
	_ =	sdelay $0x3  }
0x34: {  	[smem:$0x3FB9] =	sst s10  }
0x35: {  	s10 =	sld [smem:$0x3FB8];
	_ =	sdelay $0x3  }
0x36: {  	p1 =	seq.s32 s10, $0x1;
	s10 =	sld [smem:$0x3FB9];
	_ =	sdelay $0x3  }
0x37: {  	[smem:$0x3FB9] =	sst s10  }
0x38: {  	s10 =	sld [smem:$0x3FBA]  }
0x39: {  	_ = 	snop;
	(pc) =	sbr.ind lr, $3  }
0x3a: {  	_ = 	snop  }
0x3b: {  	_ = 	snop  }
0x3c: {  	p2 =	seq.s32 s10, $0x1;
	s10 =	sld [smem:$0x3FB9]  }
0x3d: {  	_ =	shalt  }
0x3e: {  	_ =	shalt  }
0x3f: {  	_ =	shalt  }
0x40: {  	_ =	shalt  }
0x41: {  	_ =	shalt  }
0x42: {  	_ =	shalt  }
0x43: {  	_ =	shalt  }
0x44: {  	_ =	shalt  }
0x45: {  	_ =	shalt  }
0x46: {  	_ =	shalt  }
0x47: {  	_ =	shalt  }
0x48: {  	_ =	shalt  }
0x49: {  	_ =	shalt  }
0x4a: {  	_ =	shalt  }
0x4b: {  	_ =	shalt  }
0x4c: {  	_ =	shalt  }
0x4d: {  	_ =	shalt  }
0x4e: {  	_ =	shalt  }
0x4f: {  	_ =	shalt  }
0x50: {  	_ =	shalt  }
0x51: {  	_ =	shalt  }
0x52: {  	_ =	shalt  }
0x53: {  	_ =	shalt  }
0x54: {  	_ =	shalt  }
0x55: {  	_ =	shalt  }
0x56: {  	_ =	shalt  }
0x57: {  	_ =	shalt  }
0x58: {  	_ =	shalt  }
0x59: {  	_ =	shalt  }
0x5a: {  	_ =	shalt  }
0x5b: {  	_ =	shalt  }
0x5c: {  	_ =	shalt  }
0x5d: {  	_ =	shalt  }
0x5e: {  	_ =	shalt  }
0x5f: {  	_ =	shalt  }
0x60: {  	_ =	shalt  }
0x61: {  	_ =	shalt  }
0x62: {  	_ =	shalt  }
0x63: {  	_ =	shalt  }
0x64: {  	_ =	shalt  }
0x65: {  	_ =	shalt  }
0x66: {  	_ =	shalt  }
0x67: {  	_ =	shalt  }
0x68: {  	_ =	shalt  }
0x69: {  	_ =	shalt  }
0x6a: {  	_ =	shalt  }
0x6b: {  	_ =	shalt  }
0x6c: {  	_ =	shalt  }
0x6d: {  	_ =	shalt  }
0x6e: {  	_ =	shalt  }
0x6f: {  	_ =	shalt  }
0x70: {  	_ =	shalt  }
0x71: {  	_ =	shalt  }
0x72: {  	_ =	shalt  }
0x73: {  	_ =	shalt  }
0x74: {  	_ =	shalt  }
0x75: {  	_ =	shalt  }
0x76: {  	_ =	shalt  }
0x77: {  	_ =	shalt  }
0x78: {  	_ =	shalt  }
0x79: {  	_ =	shalt  }
0x7a: {  	_ =	shalt  }
0x7b: {  	_ =	shalt  }
0x7c: {  	_ =	shalt  }
0x7d: {  	_ =	shalt  }
0x7e: {  	_ =	shalt  }
0x7f: {  	_ =	shalt  }
0x80: {  	_ =	shalt  }
0x81: {  	_ =	shalt  }
0x82: {  	_ =	shalt  }
0x83: {  	_ =	shalt  }
0x84: {  	_ =	shalt  }
0x85: {  	_ =	shalt  }
0x86: {  	_ =	shalt  }
0x87: {  	_ =	shalt  }
.Lfunc_end0:
.L_simem_size_0:
called_computation.1_lowered:
.L_overlay_start_0:
0x88: {  	s2 =	sld [smem:$0x3FD9]  }
0x89: {  	s3 =	sld [smem:$0x3FFE];
	_ =	sdelay $0x1  }
0x8a: {  	s1 =	srdreg.scid  }
0x8b: {  	s0 =	sand.u32 $0x1, s1  }
0x8c: {  	s17 =	sshll.u32 s0, $0xA;
	s2 =	sadd.s32 s3, s2  }
0x8d: {  	s2 =	sadd.s32 s2, s17  }
0x8e: {  	[smem:$0x3FC5] =	sst s2  }
0x8f: {  	_ = 	snop  }
0x90: {  	s2 =	sld [smem:$0x3FC8];
	(tm) =	ssettm $0x1  }
0x91: {  	s18 =	sld [smem:$0x3FFB];
	_ =	sdelay $0x3  }
0x92: {  	_ =	strace s18  }
0x93: {  	s3 =	sld [smem:$0x3FFC];
	_ =	sdelay $0x3  }
0x94: {  	_ =	strace s3  }
0x95: {  	s3 =	sld [smem:$0x3FFD];
	_ =	sdelay $0x3  }
0x96: {  	_ =	strace s3  }
0x97: {  	_ =	strace $0x8FFFFFFF  }
0x98: {  	s19 =	sld [smem:$0x3FDB];
	_ =	sdelay $0x1  }
0x99: {  	s4 =	simm.s32 $_scs_section_size  }
0x9a: {  	s5 =	simm.s32 $_size__tile_overlayer_lowered;
	s6 =	simm.s32 $_tile_overlayer_lowered  }
0x9b: {  	s22 =	simm.s32 $0x1BFF;
	s21 =	sshll.u32 s6, $0x1;
	s3 =	sadd.s32 s4, s19  }
0x9c: {  	s7 =	simm.s32 $0x0;
	s20 =	sshll.u32 s5, $0x1;
	s5 =	sadd.s32 s21, s3  }
0x9d: {  	[timem:s7], [sflag:s22] =	dma.local [hbm:s5], s20  }
0x9e: {  	_ =	swait.ge [sflag:s22], s20  }
0x9f: {  	s4 =	ssub.s32 $0x0, s20;
	[sflag:s22] =	ssyncset.done $0x0  }
0xa0: {  	[sflag:s22] =	ssyncadd.s32 s4;
	_ =	sdelay $0x1  }
0xa1: {  	s23 =	simm.s32 $0x1B8B  }
0xa2: {  	_ =	swait.ge [sflag:s23], $0x1  }
0xa3: {  	[sflag:s23] =	ssyncset.done $0x0  }
0xa4: {  	s25 =	simm.s32 $0x1B8E;
	s24 =	sld [smem:$0x3FFE];
	[sflag:s23] =	ssyncadd.s32 $0xFFFFFFFF  }
0xa5: {  	s26 =	simm.s32 $execute0_lowered;
	[smem:$0x3FD2] =	sst s25  }
0xa6: {  	s5 =	sshll.u32 s26, $0x1;
	_ =	strace $0x80000046;
	[dreg:$0x1] =	wrdreg $0xFFFFFFFF  }
0xa7: {  	s28 =	simm.s32 $_size_execute0_lowered;
	s3 =	sadd.s32 s3, s5;
	[dreg:$0x0] =	wrdreg $0x0  }
0xa8: {  	s5 =	sshll.u32 s28, $0x1;
	[dreg:$0x2] =	wrdreg s3  }
0xa9: {  	[dreg:$0x3] =	wrdreg s5  }
0xaa: {  	[dreg:$0x4] =	wrdreg $0xC0  }
0xab: {  	_ =	task [dreg:s7], $0x5FFFF  }
0xac: {  	[dreg:$0x1] =	wrdreg $0xFFFFFFFF  }
0xad: {  	[dreg:$0x0] =	wrdreg $0x60  }
0xae: {  	[dreg:$0x2] =	wrdreg s24  }
0xaf: {  	[dreg:$0x3] =	wrdreg s2  }
0xb0: {  	[dreg:$0x4] =	wrdreg $0x9  }
0xb1: {  	_ =	task.clear_ibuf [dreg:s7], $0x5FFFF;
	_ =	strace $0x90000046  }
0xb2: {  	s29 =	simm.s32 $0x9;
	_ =	strace $0x80000048  }
0xb3: {  	_ =	swait.ge [sflag:s29], $0x1  }
0xb4: {  	[sflag:s29] =	ssyncadd.s32 $0xFFFFFFFF  }
0xb5: {  	_ =	strace $0x90000048  }
0xb6: {  	_ =	sfence  }
0xb7: {  	s30 =	sld [smem:$0x0];
	_ =	sdelay $0x2  }
0xb8: {  	s31 =	sshll.u32 s1, $0xD;
	s1 =	sshrl.u32 s1, $0x2  }
0xb9: {  	s3 =	sand.u32 $0x4000, s31;
	s1 =	sadd.s32 s1, s30  }
0xba: {  	s0 =	sor.u32 s3, s0;
	s1 =	sshll.u32 s1, $0x11  }
0xbb: {  	s0 =	sor.u32 s1, s0  }
0xbc: {  	s0 =	sadd.s32 $0x8F2B, s0  }
0xbd: {  	[sflag:s0] =	ssyncadd.remote.s32 $0x1  }
0xbe: {  	_ =	sfence.sel $0xFFFF  }
0xbf: {  	[dreg:$0x0] =	wrdreg $0xFFFFFFFF;
	(pc) =	sbr.abs _section_cstart, $3  }
0xc0: {  	[dreg:$0x1] =	wrdreg $0xFFFFFFFF  }
0xc1: {  	_ =	task.clear_ibuf [dreg:s7], $0x2FFFF;
	_ =	strace $0x9FFFFFFF  }
0xc2: {  	(tm) =	ssettm $0x7FFFFFFF  }
0xc3: {  	_ =	shalt  }
tec
execute0_lowered:
.L_overlay_start_1:
0x0: {  	(tag) =	ssettag $0x1  }
0x1: {  	s0 =	srdreg.scid  }
0x2: {  	s9 =	stileid.u32;
	s2 =	rddreg [dreg:$0x0]  }
0x3: {  	s12 =	simm.s32 $0x80;
	s14 =	simm.s32 $0xA;
	s15 =	simm.s32 $0x6400  }
0x4: {  	s16 =	simm.s32 $0x1;
	s17 =	simm.s32 $0xC800;
	s19 =	simm.s32 $0x10800  }
0x5: {  	s21 =	simm.s32 $0x14800;
	s22 =	simm.s32 $0x2;
	s23 =	simm.s32 $0x6580  }
0x6: {  	s24 =	simm.s32 $0x18800;
	s28 =	simm.s32 $0x4;
	s29 =	simm.s32 $0x7  }
0x7: {  	s30 =	simm.s32 $0x5;
	s31 =	simm.s32 $0x8;
	s0 =	sand.u32 $0x1, s0  }
0x8: {  	s1 =	sshll.u32 s9, $0x1;
	s3 =	sshrl.u32 s9, $0x2;
	s26 =	smul.u32 $0xC8000, s9  }
0x9: {  	s1 =	sor.u32 s0, s1;
	s4 =	smul.u32 $0x32000, s3;
	s3 =	simm.s32 $0x0  }
0xa: {  	s6 =	ssub.s32 $0x2, s0;
	s0 =	smul.u32 $0x64000, s0;
	s5 =	sshll.u32 s1, $0x7  }
0xb: {  	[smem:$0x7FF] =	sst s3;
	s7 =	smul.u32 $0x64000, s1;
	s5 =	sand.u32 $0x380, s5  }
0xc: {  	s8 =	sshrl.u32 s6, $0x1;
	s1 =	smul.u32 $0x320000, s1;
	s4 =	sor.u32 s4, s5  }
0xd: {  	_ =	strace $0x80000047;
	s10 =	ssub.s32 s6, s8;
	s4 =	sshrl.u32 s4, $0x3  }
0xe: {  	s1 =	sshrl.u32 s1, $0x3;
	s10 =	smax.u32 s10, $0x1;
	s25 =	sadd.s32 s4, s2  }
0xf: {  	s4 =	sadd.s32 $0x19800, s2;
	s2 =	sadd.s32 $0x1A0400, s2;
	s5 =	sadd.s32 $0x800, s25  }
0x10: {  	s6 =	sadd.s32 s2, s7;
	s1 =	sadd.s32 s2, s1;
	s2 =	sadd.s32 s26, s2  }
0x11: {  	s25 =	simm.s32 $0x3;
	s26 =	simm.s32 $0x6;
	s7 =	sadd.s32 $0x62800, s1  }
0x12: {  	s8 =	sadd.s32 $0x63000, s1;
	s0 =	sadd.s32 s0, s2;
	s9 =	sadd.s32 $0x63800, s1  }
0x13: {  	s1 =	simm.s32 $0x9;
	s11 =	sadd.s32 $0x1000, s0;
	s0 =	simm.s32 $0x0  }
.LBB2_1:
0x14: {  	s2 =	simm.s32 $0x400  }
0x15: {  	[tilespmem:s3], [sflag:$0xA] =	stream.strided.gather [hbm4b:s5+s12], $0x6400, s2, s12, $0x38;
	[tilespmem:$0x1C800] =	vst v63  }
0x16: {  	_ =	swait.ge [sflag:s14], $0x6400  }
0x17: {  	[sflag:s14] =	ssyncset.done $0x0  }
0x18: {  	[sflag:s14] =	ssyncadd.s32 $0xFFFF9C00  }
0x19: {  	s13 =	rddreg [dreg:$0x1]  }
0x1a: {  	[tilespmem:s15], [sflag:$0x1] =	stream.indirect.gather [hbm4b:s13+s15], $0x1, s3, s15, $0xb8;
	[tilespmem:$0x1C800] =	vst v63  }
0x1b: {  	_ =	swait.ge [sflag:s16], $0x6400  }
0x1c: {  	[sflag:s16] =	ssyncset.done $0x0  }
0x1d: {  	[sflag:s16] =	ssyncadd.s32 $0xFFFF9C00  }
0x1e: {  	[tilespmem:s17], [sflag:$0x2] =	stream.indirect.gather [hbm4b:s4+s12], $0x80, s15, s12, $0xb8;
	[tilespmem:$0x1C800] =	vst v63  }
0x1f: {  	s18 =	simm.s32 $0x6480  }
0x20: {  	[tilespmem:s19], [sflag:$0x3] =	stream.indirect.gather [hbm4b:s4+s12], $0x80, s18, s12, $0xb8;
	[tilespmem:$0x1C800] =	vst v63  }
0x21: {  	s20 =	simm.s32 $0x6500  }
0x22: {  	[tilespmem:s21], [sflag:$0x4] =	stream.indirect.gather [hbm4b:s4+s12], $0x80, s20, s12, $0xb8;
	[tilespmem:$0x1C800] =	vst v63  }
0x23: {  	_ =	swait.ge [sflag:s22], $0x4000  }
0x24: {  	[sflag:s22] =	ssyncset.done $0x0  }
0x25: {  	[sflag:s22] =	ssyncadd.s32 $0xFFFFC000  }
0x26: {  	[hbm4b:s6+s3] =	stream.linear.scatter [tilespmem:s17], [sflag:$0x6], $0x4000, $0x38;
	[tilespmem:$0x1C800] =	vst v63  }
0x27: {  	_ = 	snop  }
0x28: {  	[tilespmem:s24], [sflag:$0x5] =	stream.indirect.gather [hbm4b:s4+s12], $0x80, s23, s12, $0xb8;
	[tilespmem:$0x1C800] =	vst v63  }
0x29: {  	_ =	swait.ge [sflag:s25], $0x4000  }
0x2a: {  	[sflag:s25] =	ssyncset.done $0x0  }
0x2b: {  	s13 =	sadd.s32 $0xFFFFF800, s11;
	[sflag:s25] =	ssyncadd.s32 $0xFFFFC000  }
0x2c: {  	[hbm4b:s13+s3] =	stream.linear.scatter [tilespmem:s19], [sflag:$0x7], $0x4000, $0x38;
	[tilespmem:$0x1C800] =	vst v63  }
0x2d: {  	_ =	swait.ge [sflag:s26], $0x4000  }
0x2e: {  	[sflag:s26] =	ssyncset.done $0x0  }
0x2f: {  	s18 =	simm.s32 $0x6600;
	[sflag:s26] =	ssyncadd.s32 $0xFFFFC000  }
0x30: {  	[tilespmem:s17], [sflag:$0x2] =	stream.indirect.gather [hbm4b:s4+s12], $0x80, s18, s12, $0xb8;
	[tilespmem:$0x1C800] =	vst v63  }
0x31: {  	_ =	swait.ge [sflag:s28], $0x4000  }
0x32: {  	[sflag:s28] =	ssyncset.done $0x0  }
0x33: {  	[sflag:s28] =	ssyncadd.s32 $0xFFFFC000  }
0x34: {  	[hbm4b:s11+s3] =	stream.linear.scatter [tilespmem:s21], [sflag:$0x8], $0x4000, $0x38;
	[tilespmem:$0x1C800] =	vst v63  }
0x35: {  	_ =	swait.ge [sflag:s29], $0x4000  }
0x36: {  	[sflag:s29] =	ssyncset.done $0x0  }
0x37: {  	s20 =	simm.s32 $0x6680;
	[sflag:s29] =	ssyncadd.s32 $0xFFFFC000  }
0x38: {  	[tilespmem:s19], [sflag:$0x3] =	stream.indirect.gather [hbm4b:s4+s12], $0x80, s20, s12, $0xb8;
	[tilespmem:$0x1C800] =	vst v63  }
0x39: {  	_ =	swait.ge [sflag:s30], $0x4000  }
0x3a: {  	[sflag:s30] =	ssyncset.done $0x0  }
0x3b: {  	s13 =	sadd.s32 $0x800, s11;
	[sflag:s30] =	ssyncadd.s32 $0xFFFFC000  }
0x3c: {  	[hbm4b:s13+s3] =	stream.linear.scatter [tilespmem:s24], [sflag:$0x9], $0x4000, $0x38;
	[tilespmem:$0x1C800] =	vst v63  }
0x3d: {  	_ =	swait.ge [sflag:s31], $0x4000  }
0x3e: {  	[sflag:s31] =	ssyncset.done $0x0  }
0x3f: {  	s18 =	simm.s32 $0x6700;
	[sflag:s31] =	ssyncadd.s32 $0xFFFFC000  }
0x40: {  	[tilespmem:s21], [sflag:$0x4] =	stream.indirect.gather [hbm4b:s4+s12], $0x80, s18, s12, $0xb8;
	[tilespmem:$0x1C800] =	vst v63  }
0x41: {  	_ =	swait.ge [sflag:s22], $0x4000  }
0x42: {  	[sflag:s22] =	ssyncset.done $0x0  }
0x43: {  	s20 =	sadd.s32 $0x1000, s11;
	[sflag:s22] =	ssyncadd.s32 $0xFFFFC000  }
0x44: {  	[hbm4b:s20+s3] =	stream.linear.scatter [tilespmem:s17], [sflag:$0x6], $0x4000, $0x38;
	[tilespmem:$0x1C800] =	vst v63  }
0x45: {  	_ =	swait.ge [sflag:s1], $0x4000  }
0x46: {  	s2 =	simm.s32 $0x800;
	[sflag:s1] =	ssyncset.done $0x0  }
0x47: {  	s13 =	sadd.s32 $0x2000, s11;
	s18 =	simm.s32 $0x6780;
	[sflag:s1] =	ssyncadd.s32 $0xFFFFC000  }
.LBB2_2:
0x48: {  	[tilespmem:s24], [sflag:$0x5] =	stream.indirect.gather [hbm4b:s4+s12], $0x80, s18, s12, $0xb8;
	[tilespmem:$0x1C800] =	vst v63  }
0x49: {  	s18 =	smov.u32 s2  }
0x4a: {  	p0 =	sne.s32 s2, $0x18000;
	s2 =	sadd.s32 $0x800, s2;
	_ =	swait.ge [sflag:s25], $0x4000  }
0x4b: {  	[sflag:s25] =	ssyncset.done $0x0  }
0x4c: {  	s20 =	sadd.s32 $0xFFFFF800, s13;
	[sflag:s25] =	ssyncadd.s32 $0xFFFFC000  }
0x4d: {  	[hbm4b:s20+s3] =	stream.linear.scatter [tilespmem:s19], [sflag:$0x7], $0x4000, $0x38;
	[tilespmem:$0x1C800] =	vst v63  }
0x4e: {  	_ =	swait.ge [sflag:s26], $0x4000  }
0x4f: {  	s18 =	sshra.s32 s18, $0x2;
	[sflag:s26] =	ssyncset.done $0x0  }
0x50: {  	s20 =	sadd.s32 $0x6600, s18;
	[sflag:s26] =	ssyncadd.s32 $0xFFFFC000  }
0x51: {  	[tilespmem:s17], [sflag:$0x2] =	stream.indirect.gather [hbm4b:s4+s12], $0x80, s20, s12, $0xb8;
	[tilespmem:$0x1C800] =	vst v63  }
0x52: {  	_ =	swait.ge [sflag:s28], $0x4000  }
0x53: {  	[sflag:s28] =	ssyncset.done $0x0  }
0x54: {  	[sflag:s28] =	ssyncadd.s32 $0xFFFFC000  }
0x55: {  	[hbm4b:s13+s3] =	stream.linear.scatter [tilespmem:s21], [sflag:$0x8], $0x4000, $0x38;
	[tilespmem:$0x1C800] =	vst v63  }
0x56: {  	_ =	swait.ge [sflag:s29], $0x4000  }
0x57: {  	[sflag:s29] =	ssyncset.done $0x0  }
0x58: {  	s20 =	sadd.s32 $0x6680, s18;
	[sflag:s29] =	ssyncadd.s32 $0xFFFFC000  }
0x59: {  	[tilespmem:s19], [sflag:$0x3] =	stream.indirect.gather [hbm4b:s4+s12], $0x80, s20, s12, $0xb8;
	[tilespmem:$0x1C800] =	vst v63  }
0x5a: {  	_ =	swait.ge [sflag:s30], $0x4000  }
0x5b: {  	[sflag:s30] =	ssyncset.done $0x0  }
0x5c: {  	s20 =	sadd.s32 $0x800, s13;
	[sflag:s30] =	ssyncadd.s32 $0xFFFFC000  }
0x5d: {  	[hbm4b:s20+s3] =	stream.linear.scatter [tilespmem:s24], [sflag:$0x9], $0x4000, $0x38;
	[tilespmem:$0x1C800] =	vst v63  }
0x5e: {  	_ =	swait.ge [sflag:s31], $0x4000  }
0x5f: {  	[sflag:s31] =	ssyncset.done $0x0  }
0x60: {  	s20 =	sadd.s32 $0x6700, s18;
	[sflag:s31] =	ssyncadd.s32 $0xFFFFC000  }
0x61: {  	[tilespmem:s21], [sflag:$0x4] =	stream.indirect.gather [hbm4b:s4+s12], $0x80, s20, s12, $0xb8;
	[tilespmem:$0x1C800] =	vst v63  }
0x62: {  	_ =	swait.ge [sflag:s22], $0x4000  }
0x63: {  	[sflag:s22] =	ssyncset.done $0x0  }
.Ltmp0:
0x64: {  	s20 =	sadd.s32 $0x1000, s13;
	[sflag:s22] =	ssyncadd.s32 $0xFFFFC000;
	(pc) =	sbr.rel @p0 .LBB2_2-.Ltmp0, $4  }
0x65: {  	[hbm4b:s20+s3] =	stream.linear.scatter [tilespmem:s17], [sflag:$0x6], $0x4000, $0x38;
	[tilespmem:$0x1C800] =	vst v63  }
0x66: {  	_ =	swait.ge [sflag:s1], $0x4000  }
0x67: {  	[sflag:s1] =	ssyncset.done $0x0  }
0x68: {  	s18 =	sadd.s32 $0x6780, s18;
	s13 =	sadd.s32 $0x2000, s13;
	[sflag:s1] =	ssyncadd.s32 $0xFFFFC000  }
0x69: {  	[tilespmem:s24], [sflag:$0x5] =	stream.indirect.gather [hbm4b:s4+s12], $0x80, s18, s12, $0xb8;
	[tilespmem:$0x1C800] =	vst v63  }
0x6a: {  	_ =	swait.ge [sflag:s25], $0x4000  }
0x6b: {  	[sflag:s25] =	ssyncset.done $0x0  }
0x6c: {  	[sflag:s25] =	ssyncadd.s32 $0xFFFFC000  }
0x6d: {  	[hbm4b:s7+s3] =	stream.linear.scatter [tilespmem:s19], [sflag:$0x7], $0x4000, $0x38;
	[tilespmem:$0x1C800] =	vst v63  }
0x6e: {  	_ =	swait.ge [sflag:s26], $0x4000  }
0x6f: {  	[sflag:s26] =	ssyncset.done $0x0  }
0x70: {  	[sflag:s26] =	ssyncadd.s32 $0xFFFFC000  }
0x71: {  	_ =	swait.ge [sflag:s28], $0x4000  }
0x72: {  	[sflag:s28] =	ssyncset.done $0x0  }
0x73: {  	[sflag:s28] =	ssyncadd.s32 $0xFFFFC000  }
0x74: {  	[hbm4b:s8+s3] =	stream.linear.scatter [tilespmem:s21], [sflag:$0x8], $0x4000, $0x38;
	[tilespmem:$0x1C800] =	vst v63  }
0x75: {  	_ =	swait.ge [sflag:s29], $0x4000  }
0x76: {  	[sflag:s29] =	ssyncset.done $0x0  }
0x77: {  	[sflag:s29] =	ssyncadd.s32 $0xFFFFC000  }
0x78: {  	_ =	swait.ge [sflag:s30], $0x4000  }
0x79: {  	[sflag:s30] =	ssyncset.done $0x0  }
0x7a: {  	s0 =	sadd.s32 $0x1, s0;
	[sflag:s30] =	ssyncadd.s32 $0xFFFFC000  }
0x7b: {  	[hbm4b:s9+s3] =	stream.linear.scatter [tilespmem:s24], [sflag:$0x9], $0x4000, $0x38;
	[tilespmem:$0x1C800] =	vst v63  }
0x7c: {  	p0 =	sne.s32 s0, s10;
	_ =	swait.ge [sflag:s31], $0x4000  }
.Ltmp1:
0x7d: {  	[sflag:s31] =	ssyncset.done $0x0;
	(pc) =	sbr.rel @p0 .LBB2_1-.Ltmp1, $4  }
0x7e: {  	[sflag:s31] =	ssyncadd.s32 $0xFFFFC000  }
0x7f: {  	_ =	swait.ge [sflag:s1], $0x4000  }
0x80: {  	[sflag:s1] =	ssyncset.done $0x0  }
0x81: {  	[sflag:s1] =	ssyncadd.s32 $0xFFFFC000  }
0x82: {  	_ =	sfence.sel $0x180000  }
0x83: {  	[bflag:$0x0] =	sbarrier.arrive $0xFFFF  }
0x84: {  	_ =	strace $0x90000047  }
0x85: {  	s0 =	stileid.u32;
	[bflag:$0x2] =	sbarrier.arrive $0xFFFF  }
0x86: {  	p0 =	sne.s32 s0, $0x0;
	s0 =	rddreg [dreg:$0x2]  }
0x87: {  	s0 =	sadd.s32 @!p0 $0x100000, s0  }
0x88: {  	[sflag:s0] =	ssyncadd.tile.s32 @!p0 $0x1;
	_ =	shalt  }
.Lfunc_end2:
_tile_overlayer_lowered:
.L_overlay_start_2:
0x89: {  	(tag) =	ssettag $0x2  }
0x8a: {  	s0 =	rddreg [dreg:$0x0];
	s2 =	stileid.u32  }
0x8b: {  	s1 =	rddreg [dreg:$0x1];
	p0 =	sne.s32 s2, $0x0  }
0x8c: {  	s3 =	rddreg [dreg:$0x2];
	[bflag:$0x3] =	sbarrier.arrive $0xFFFF;
	s2 =	simm.s32 @!p0 $0x1C0A  }
0x8d: {  	[timem:s3], [sflag:s2] =	dma.local @!p0 [hbm:s0], s1  }
0x8e: {  	s0 =	simm.s32 @!p0 $0xA  }
0x8f: {  	_ =	swait.ge @!p0 [sflag:s0], s1  }
0x90: {  	s1 =	ssub.s32 @!p0 $0x0, s1;
	[sflag:s0] =	ssyncset.done @!p0 $0x0  }
0x91: {  	[sflag:s0] =	ssyncadd.s32 @!p0 s1  }
0x92: {  	[bflag:$0x3] =	sbarrier.arrive $0xFFFF  }
0x93: {  	_ =	shalt  }

// kernel: sparse-core-data-format-call.cloned.1.call-start
scs
called_computation_lowered:
.L_overlay_start_0:
0x0: {  	s2 =	sld [smem:$0x3FD9]  }
0x1: {  	s3 =	sld [smem:$0x3FFE];
	_ =	sdelay $0x1  }
0x2: {  	s1 =	srdreg.scid  }
0x3: {  	s0 =	sand.u32 $0x1, s1  }
0x4: {  	s18 =	sshll.u32 s0, $0xA;
	s2 =	sadd.s32 s3, s2  }
0x5: {  	s2 =	sadd.s32 s2, s18  }
0x6: {  	[smem:$0x3FC5] =	sst s2  }
0x7: {  	_ = 	snop  }
0x8: {  	s2 =	sld [smem:$0x3FD0];
	(tm) =	ssettm $0x1  }
0x9: {  	s19 =	sld [smem:$0x3FFB];
	_ =	sdelay $0x3  }
0xa: {  	_ =	strace s19  }
0xb: {  	s3 =	sld [smem:$0x3FFC];
	_ =	sdelay $0x3  }
0xc: {  	_ =	strace s3  }
0xd: {  	s3 =	sld [smem:$0x3FFD];
	_ =	sdelay $0x3  }
0xe: {  	_ =	strace s3  }
0xf: {  	_ =	strace $0x8FFFFFFF  }
0x10: {  	s20 =	sld [smem:$0x3FDB];
	_ =	sdelay $0x1  }
0x11: {  	s4 =	simm.s32 $_scs_section_size  }
0x12: {  	s5 =	simm.s32 $_size__tile_overlayer_lowered;
	s6 =	simm.s32 $_tile_overlayer_lowered  }
0x13: {  	s23 =	simm.s32 $0x1BFF;
	s22 =	sshll.u32 s6, $0x1;
	s3 =	sadd.s32 s4, s20  }
0x14: {  	s7 =	simm.s32 $0x0;
	s21 =	sshll.u32 s5, $0x1;
	s5 =	sadd.s32 s22, s3  }
0x15: {  	[timem:s7], [sflag:s23] =	dma.local [hbm:s5], s21  }
0x16: {  	_ =	swait.ge [sflag:s23], s21  }
0x17: {  	s4 =	ssub.s32 $0x0, s21;
	[sflag:s23] =	ssyncset.done $0x0  }
0x18: {  	[sflag:s23] =	ssyncadd.s32 s4;
	_ =	sdelay $0x1  }
0x19: {  	s24 =	simm.s32 $0x1B8B  }
0x1a: {  	_ =	swait.ge [sflag:s24], $0x1  }
0x1b: {  	[sflag:s24] =	ssyncset.done $0x0  }
0x1c: {  	s26 =	simm.s32 $0x1B8E;
	s25 =	sld [smem:$0x3FFE];
	[sflag:s24] =	ssyncadd.s32 $0xFFFFFFFF  }
0x1d: {  	s27 =	simm.s32 $execute0_lowered;
	[smem:$0x3FD2] =	sst s26  }
0x1e: {  	s5 =	sshll.u32 s27, $0x1;
	_ =	strace $0x80000049;
	[dreg:$0x1] =	wrdreg $0xFFFFFFFF  }
0x1f: {  	s28 =	simm.s32 $_size_execute0_lowered;
	s3 =	sadd.s32 s3, s5;
	[dreg:$0x0] =	wrdreg $0x0  }
0x20: {  	s5 =	sshll.u32 s28, $0x1;
	[dreg:$0x2] =	wrdreg s3  }
0x21: {  	[dreg:$0x3] =	wrdreg s5  }
0x22: {  	[dreg:$0x4] =	wrdreg $0xC0  }
0x23: {  	_ =	task [dreg:s7], $0x5FFFF  }
0x24: {  	[dreg:$0x1] =	wrdreg $0xFFFFFFFF  }
0x25: {  	[dreg:$0x0] =	wrdreg $0x60  }
0x26: {  	[dreg:$0x2] =	wrdreg s25  }
0x27: {  	[dreg:$0x3] =	wrdreg s2  }
0x28: {  	[dreg:$0x4] =	wrdreg $0x9  }
0x29: {  	_ =	task.clear_ibuf [dreg:s7], $0x5FFFF;
	_ =	strace $0x90000049  }
0x2a: {  	s29 =	simm.s32 $0x9;
	_ =	strace $0x8000004B  }
0x2b: {  	_ =	swait.ge [sflag:s29], $0x1  }
0x2c: {  	[sflag:s29] =	ssyncadd.s32 $0xFFFFFFFF  }
0x2d: {  	_ =	strace $0x9000004B  }
0x2e: {  	_ =	sfence  }
0x2f: {  	s30 =	sld [smem:$0x0];
	_ =	sdelay $0x2  }
0x30: {  	s31 =	sshll.u32 s1, $0xD;
	s1 =	sshrl.u32 s1, $0x2  }
0x31: {  	s3 =	sand.u32 $0x4000, s31;
	s1 =	sadd.s32 s1, s30  }
0x32: {  	s0 =	sor.u32 s3, s0;
	s1 =	sshll.u32 s1, $0x11  }
0x33: {  	s0 =	sor.u32 s1, s0  }
0x34: {  	s0 =	sadd.s32 $0x8F2B, s0  }
0x35: {  	[sflag:s0] =	ssyncadd.remote.s32 $0x1  }
0x36: {  	_ =	sfence.sel $0xFFFF  }
0x37: {  	[dreg:$0x0] =	wrdreg $0xFFFFFFFF;
	(pc) =	sbr.abs _section_cstart, $3  }
0x38: {  	[dreg:$0x1] =	wrdreg $0xFFFFFFFF  }
0x39: {  	_ =	task.clear_ibuf [dreg:s7], $0x2FFFF;
	_ =	strace $0x9FFFFFFF  }
0x3a: {  	(tm) =	ssettm $0x7FFFFFFF  }
0x3b: {  	_ =	shalt  }
tec
execute0_lowered:
.L_overlay_start_1:
0x0: {  	(tag) =	ssettag $0x1  }
0x1: {  	s0 =	srdreg.scid  }
0x2: {  	s1 =	sshll.u32 s0, $0x4  }
0x3: {  	s0 =	stileid.u32;
	s1 =	sand.u32 $0x10, s1  }
0x4: {  	s1 =	sor.u32 s0, s1  }
0x5: {  	s6 =	rddreg [dreg:$0x0];
	s4 =	simm.s32 $0x1;
	s2 =	sshll.u32 s1, $0x7  }
0x6: {  	s7 =	simm.s32 $0x2;
	s12 =	simm.s32 $0x0;
	s1 =	ssub.s32 $0x1000, s2  }
0x7: {  	s8 =	simm.s32 $0x8000;
	s13 =	simm.s32 $0x0;
	s3 =	sand.u32 $0xF80, s1  }
0x8: {  	s9 =	simm.s32 $0x0;
	s5 =	sshrl.u32 s1, $0xC;
	p0 =	sne.s32 s3, $0x0  }
.Ltmp0:
0x9: {  	s1 =	rddreg [dreg:$0x2];
	s4 =	simm.s32 @!p0 $0x0;
	(pc) =	sbr.rel .LBB1_1-.Ltmp0, $4  }
0xa: {  	s11 =	simm.s32 $0x0;
	s3 =	rddreg [dreg:$0x1];
	s5 =	sadd.s32 s4, s5  }
0xb: {  	_ =	strace $0x8000004A;
	s4 =	simm.s32 $0x1;
	s5 =	smul.u32 $0xC8, s5  }
0xc: {  	s6 =	sadd.s32 $0x1A0400, s6;
	s10 =	smov.u32 s2;
	[sflag:s4] =	ssyncpa.u1 $0x0  }
0xd: {  	p0 =	por $0x0, $0x0;
	[sflag:s7] =	ssyncpa.u1 $0x0;
	s7 =	sor.u32 $0x1, s5  }
.LBB1_4:
0xe: {  	s16 =	sshll.u32 s13, $0x3;
	s17 =	sand.u32 $0x78, s13  }
0xf: {  	s30 =	sand.u32 $0x7E00, s13;
	s12 =	sshll.u32 s12, $0xF;
	s16 =	sand.u32 $0xC00, s16  }
0x10: {  	[tilespmem:s15+$0x810 ss:$0x81] =	vst.msk $0xffff, v2;
	s31 =	sand.u32 $0x7, s13;
	s16 =	sor.u32 s17, s16;
	s17 =	sadd.s32 s3, s30  }
0x11: {  	[tilespmem:s15+$0x1020 ss:$0x81] =	vst.msk $0xffff, v0;
	s13 =	sshll.u32 s31, $0x12;
	s12 =	sadd.s32 s12, s17;
	s16 =	sshrl.u32 s16, $0x3  }
0x12: {  	[tilespmem:s15+$0x0 ss:$0x81] =	vst.msk $0xffff, v1;
	s13 =	sor.u32 $0x400, s13;
	s12 =	sadd.s32 s16, s12  }
0x13: {  	[hbm4b:s12+s13] =	stream.strided.scatter [tilespmem:s14], [sflag:$0x2], $0x2000, s8, s13, $0x20;
	[tilespmem:$0x8080] =	vst v63  }
.LBB1_5:
0x14: {  	s14 =	sadd.s32 $0x1, s9  }
0x15: {  	s12 =	sadd.s32 $0x1000, s10;
	s16 =	smov.u32 s10;
	p2 =	sgt.s32 s14, $0xC7  }
0x16: {  	s16 =	smov.u32 @p2 s12  }
0x17: {  	s14 =	simm.s32 @p2 $0x0;
	p2 =	sgt.s32 s16, $0xFFF  }
0x18: {  	s16 =	smov.u32 @p2 s2;
	p2 =	sne.s32 s11, s7  }
.Ltmp1:
0x19: {  	p1 =	slt.u32 s11, $0x2;
	(pc) =	sbr.rel @!p2 .LBB1_6-.Ltmp1, $4  }
0x1a: {  	s15 =	simm.s32 @!p1 $0x2  }
0x1b: {  	s13 =	smov.u32 s10;
	p0 =	por !p0, !p0;
	_ =	swait.ge @!p1 [sflag:s15], $0x2000  }
0x1c: {  	s12 =	smov.u32 s9;
	[sflag:s15] =	ssyncset.done @!p1 $0x0;
	s9 =	smov.u32 s14  }
0x1d: {  	s11 =	sadd.s32 $0x1, s11;
	[sflag:s15] =	ssyncadd.s32 @!p1 $0xFFFFE000;
	s10 =	smov.u32 s16  }
.LBB1_1:
0x1e: {  	p1 =	sge.u32 s11, s5  }
0x1f: {  	s14 =	sand.u32 @!p1 $0x1FFFFFF, s9  }
0x20: {  	s15 =	smulhi.u32 @!p1 $0x147AE15, s14;
	_ =	sdelay $0x1  }
0x21: {  	s15 =	smul.u32 @!p1 $0xC8, s15  }
0x22: {  	s16 =	sxor.u32 @!p1 $0xFFFFFFFF, s11;
	s17 =	smul.u32 @!p1 $0xC80, s10  }
0x23: {  	s31 =	sadd.s32 $0xFFFFFFFF, s11;
	s16 =	sshll.u32 @!p1 s16, $0xD;
	s14 =	ssub.s32 @!p1 s14, s15  }
0x24: {  	s15 =	sand.u32 @!p1 $0x2000, s16;
	s16 =	sadd.s32 @!p1 s6, s17;
	s14 =	sshll.u32 @!p1 s14, $0x4  }
0x25: {  	s17 =	simm.s32 @!p1 $0x6400;
	s14 =	sadd.s32 @!p1 s14, s16;
	s16 =	simm.s32 @!p1 $0x40  }
0x26: {  	[tilespmem:s15], [sflag:$0x1] =	stream.strided.gather @!p1 [hbm4b:s14+s16], $0x2000, s17, s16, $0x38;
	[tilespmem:$0x8080] =	vst v63  }
0x27: {  	p1 =	sge.u32 s31, s5  }
.Ltmp2:
0x28: {  	_ = 	snop;
	(pc) =	sbr.rel @p1 .LBB1_5-.Ltmp2, $1  }
0x29: {  	_ =	sdelay $0x3  }
0x2a: {  	s14 =	simm.s32 $0x1  }
0x2b: {  	_ =	swait.ge [sflag:s4], $0x2000;
	s14 =	simm.s32 @!p0 $0x0  }
0x2c: {  	[sflag:s4] =	ssyncset.done $0x0;
	s15 =	sshll.u32 s14, $0xD  }
0x2d: {  	[sflag:s4] =	ssyncadd.s32 $0xFFFFE000;
	s18 =	sor.u32 $0x20, s15  }
0x2e: {  	s14 =	smul.u32 $0x8100, s14;
	v3 =	vld [tilespmem:s18+$0x10]  }
0x2f: {  	s30 =	sand.u32 $0x1, s11;
	v2 =	vld [tilespmem:s18+$0xFFFFFFF0]  }
0x30: {  	s15 =	smul.u32 $0x8100, s30;
	s14 =	sshrl.u32 s14, $0x2;
	v0 =	vld [tilespmem:s18+$0x0]  }
0x31: {  	v1 =	vld [tilespmem:s18+$0xFFFFFFE0];
	s16 =	sor.u32 $0x4000, s14  }
0x32: {  	s31 =	sshrl.u32 s15, $0x2;
	s15 =	sadd.s32 $0x0, s16  }
0x33: {  	s17 =	simm.s32 $0x4;
	s18 =	sadd.s32 $0x40, s18;
	s14 =	sor.u32 $0x4000, s31;
	[tilespmem:s15+$0x1830 ss:$0x81] =	vst.msk $0xffff, v3  }
.LBB1_3:
0x34: {  	v3 =	vld [tilespmem:s18+$0x10];
	p1 =	sne.s32 s17, $0x1FC;
	[tilespmem:s15+$0x810 ss:$0x81] =	vst.msk $0xffff, v2;
	s19 =	smov.u32 s17;
	s17 =	sadd.s32 $0x4, s17  }
.Ltmp3:
0x35: {  	v2 =	vld [tilespmem:s18+$0xFFFFFFF0];
	[tilespmem:s15+$0x1020 ss:$0x81] =	vst.msk $0xffff, v0;
	(pc) =	sbr.rel @p1 .LBB1_3-.Ltmp3, $4  }
0x36: {  	v0 =	vld [tilespmem:s18+$0x0];
	[tilespmem:s15+$0x0 ss:$0x81] =	vst.msk $0xffff, v1  }
0x37: {  	s15 =	sshra.s32 s19, $0x2;
	v1 =	vld [tilespmem:s18+$0xFFFFFFE0]  }
0x38: {  	s15 =	sadd.s32 s15, s16  }
0x39: {  	s18 =	sadd.s32 $0x40, s18;
	[tilespmem:s15+$0x1830 ss:$0x81] =	vst.msk $0xffff, v3  }
.Ltmp4:
0x3a: {  	_ = 	snop;
	(pc) =	sbr.rel .LBB1_4-.Ltmp4, $1  }
0x3b: {  	_ =	sdelay $0x3  }
.LBB1_6:
0x3c: {  	_ =	sfence.sel $0x180000  }
0x3d: {  	s2 =	simm.s32 $0x1;
	[bflag:$0x0] =	sbarrier.arrive $0xFFFF  }
0x3e: {  	s31 =	simm.s32 $0x2;
	[sflag:s2] =	ssyncpa.u1 $0x1  }
0x3f: {  	[sflag:s31] =	ssyncpa.u1 $0x1  }
0x40: {  	p0 =	sne.s32 s0, $0x0;
	_ =	strace $0x9000004A  }
0x41: {  	s0 =	sadd.s32 @!p0 $0x100000, s1;
	[bflag:$0x2] =	sbarrier.arrive $0xFFFF  }
0x42: {  	[sflag:s0] =	ssyncadd.tile.s32 @!p0 $0x1;
	_ =	shalt  }
.Lfunc_end1:
_tile_overlayer_lowered:
.L_overlay_start_2:
0x43: {  	(tag) =	ssettag $0x2  }
0x44: {  	s0 =	rddreg [dreg:$0x0];
	s2 =	stileid.u32  }
0x45: {  	s1 =	rddreg [dreg:$0x1];
	p0 =	sne.s32 s2, $0x0  }
0x46: {  	s3 =	rddreg [dreg:$0x2];
	[bflag:$0x3] =	sbarrier.arrive $0xFFFF;
	s2 =	simm.s32 @!p0 $0x1C01  }
0x47: {  	[timem:s3], [sflag:s2] =	dma.local @!p0 [hbm:s0], s1  }
0x48: {  	s0 =	simm.s32 @!p0 $0x1  }
0x49: {  	_ =	swait.ge @!p0 [sflag:s0], s1  }
0x4a: {  	s1 =	ssub.s32 @!p0 $0x0, s1;
	[sflag:s0] =	ssyncset.done @!p0 $0x0  }
0x4b: {  	[sflag:s0] =	ssyncadd.s32 @!p0 s1  }
0x4c: {  	[bflag:$0x3] =	sbarrier.arrive $0xFFFF  }
0x4d: {  	_ =	shalt  }

</sc_bundles>
